<compile_context>
chip_gen: v7x
topology: tpu7x:2x2x1
jax: 0.10.2.dev20260603
libtpu: 0.0.44.dev20260713+nightly
codegen_flags: <defaults>
</compile_context>

<pallas_src>
import functools

import jax
import jax.numpy as jnp
from jax import lax
from jax.experimental import pallas as pl
from jax.experimental.pallas import tpu as pltpu
from jax.experimental.pallas import tpu_sc as plsc


def _make_sc_gather(V: int, D: int, B: int):
    info = plsc.get_sparse_core_info()
    NC, NS = info.num_cores, info.num_subcores
    NW = NC * NS
    assert B % (8 * NW) == 0
    b_per_w = B // NW
    C = 8
    NBUF = 8
    NCH = b_per_w // C
    NBLK = NCH // NBUF
    assert NCH % NBUF == 0 and NCH * C == b_per_w

    mesh = plsc.VectorSubcoreMesh(core_axis_name="c", subcore_axis_name="s")

    @functools.partial(
        pl.kernel,
        mesh=mesh,
        out_type=jax.ShapeDtypeStruct((B, D), jnp.float32),
        scratch_types=[
            pltpu.VMEM((b_per_w,), jnp.int32),
            pltpu.VMEM((NBUF, C, D), jnp.float32),
        ]
        + [pltpu.SemaphoreType.DMA] * (2 * NBUF),
    )
    def k(idx_hbm, table_hbm, out_hbm, idx_v, bufs, *sems):
        wid = lax.axis_index("s") * NC + lax.axis_index("c")
        row0 = wid * b_per_w
        gsem = sems[:NBUF]
        osem = sems[NBUF:]
        w_per_row = idx_hbm.shape[1] // b_per_w

        def gather(slot, c):
            return pltpu.make_async_copy(
                table_hbm.at[idx_v.at[pl.ds(c * C, C)]], bufs.at[slot], gsem[slot]
            )

        def store(slot, c):
            return pltpu.make_async_copy(
                bufs.at[slot], out_hbm.at[pl.ds(row0 + c * C, C)], osem[slot]
            )

        trow = wid // w_per_row
        tcol = (wid % w_per_row) * b_per_w
        head = 128
        assert head % (NBUF * C) == 0 or head >= NBUF * C
        pltpu.sync_copy(
            idx_hbm.at[trow, pl.ds(tcol, head)], idx_v.at[pl.ds(0, head)]
        )

        for b in range(NBUF - 1):
            gather(b, b).start()

        pltpu.sync_copy(
            idx_hbm.at[trow, pl.ds(tcol + head, b_per_w - head)],
            idx_v.at[pl.ds(head, b_per_w - head)],
        )

        def block(blk, carry):
            for b in range(NBUF):
                c = blk * NBUF + b
                bn = (b + NBUF - 1) % NBUF

                @pl.when(c >= 1)
                def _():
                    store(bn, c - 1).wait()

                @pl.when(c + NBUF - 1 < NCH)
                def _():
                    gather(bn, c + NBUF - 1).start()

                gather(b, c).wait()
                store(b, c).start()
            return carry

        lax.fori_loop(0, NBLK, block, 0)
        store((NCH - 1) % NBUF, NCH - 1).wait()

    return k


@jax.jit
def kernel(tokens, W_E):
    Bt, S = tokens.shape
    V, D = W_E.shape
    B = Bt * S
    out = _make_sc_gather(V, D, B)(tokens.astype(jnp.int32), W_E)
    return out.reshape(Bt, S, D)

# --- scband reference (transcript-rebuilt; emitter-appended) ---
"""Pipeline reference for scband-embed-64269890617746 (READ-ONLY COPY).

The authoritative reference and input builder live on the scoring server;
editing this copy changes nothing except your own understanding.
"""

import jax, jax.numpy as jnp
import numpy as np

D_VOCAB = 50257
D_MODEL = 1024
BATCH = 4
SEQ = 4096


def setup_inputs(seed: int = 0) -> dict:
    key = jax.random.key(seed)
    k_tok, k_we = jax.random.split(key)
    tokens = jax.random.randint(k_tok, (BATCH, SEQ), 0, D_VOCAB, dtype=jnp.int64 if jax.config.jax_enable_x64 else jnp.int32)
    W_E = jax.random.normal(k_we, (D_VOCAB, D_MODEL), dtype=jnp.float32) * 0.02
    return {"tokens": tokens, "W_E": W_E}


def reference(tokens, W_E):
    # Embed.forward: embed_out = W_E[tokens, :]
    # post_embedding_scale is None and post_embedding_ln is False, so plain gather.
    embed_out = jnp.take(W_E, tokens, axis=0)
    return embed_out

if __name__ == "__main__":
    import jax
    _d = setup_inputs()
    print(jax.jit(kernel)(*tuple(_d.values())))

</pallas_src>

<mosaic_0001>
#map = affine_map<(d0, d1) -> (0, 0)>
module attributes {stable_mosaic.version = 14 : i64} {
  func.func @k(%arg0: i32, %arg1: i32, %arg2: memref<4x4096xi32, #tpu.memory_space<hbm>>, %arg3: memref<50257x1024xf32, #tpu.memory_space<hbm>>, %arg4: memref<16384x1024xf32, #tpu.memory_space<hbm>>, %arg5: memref<512xi32, #tpu.memory_space<vmem>>, %arg6: memref<8x8x1024xf32, #tpu.memory_space<vmem>>, %arg7: memref<!tpu.dma_semaphore, #tpu.memory_space<semaphore_mem>>, %arg8: memref<!tpu.dma_semaphore, #tpu.memory_space<semaphore_mem>>, %arg9: memref<!tpu.dma_semaphore, #tpu.memory_space<semaphore_mem>>, %arg10: memref<!tpu.dma_semaphore, #tpu.memory_space<semaphore_mem>>, %arg11: memref<!tpu.dma_semaphore, #tpu.memory_space<semaphore_mem>>, %arg12: memref<!tpu.dma_semaphore, #tpu.memory_space<semaphore_mem>>, %arg13: memref<!tpu.dma_semaphore, #tpu.memory_space<semaphore_mem>>, %arg14: memref<!tpu.dma_semaphore, #tpu.memory_space<semaphore_mem>>, %arg15: memref<!tpu.dma_semaphore, #tpu.memory_space<semaphore_mem>>, %arg16: memref<!tpu.dma_semaphore, #tpu.memory_space<semaphore_mem>>, %arg17: memref<!tpu.dma_semaphore, #tpu.memory_space<semaphore_mem>>, %arg18: memref<!tpu.dma_semaphore, #tpu.memory_space<semaphore_mem>>, %arg19: memref<!tpu.dma_semaphore, #tpu.memory_space<semaphore_mem>>, %arg20: memref<!tpu.dma_semaphore, #tpu.memory_space<semaphore_mem>>, %arg21: memref<!tpu.dma_semaphore, #tpu.memory_space<semaphore_mem>>, %arg22: memref<!tpu.dma_semaphore, #tpu.memory_space<semaphore_mem>>) attributes {dimension_semantics = [#tpu.dimension_semantics<core_parallel>, #tpu.dimension_semantics<subcore_parallel>], iteration_bounds = array<i64: 2, 16>, scalar_prefetch = 0 : i64, scratch_operands = 18 : i64, tpu.core_type = #tpu.core_type<sc_vector_subcore>, window_params = [{transform_indices = #map}, {transform_indices = #map}, {transform_indices = #map}]} {
    %mul3A = arith.constant 2 : i32
    %mul3A_0 = arith.muli %arg1, %mul3A : i32
    %add3A = arith.addi %mul3A_0, %arg0 : i32
    %mul3A_1 = arith.constant 512 : i32
    %mul3A_2 = arith.muli %add3A, %mul3A_1 : i32
    %jit3A = arith.constant 8 : i32
    %div3A = arith.divsi %add3A, %jit3A : i32
    %sign3A = arith.constant 0 : i32
    %sign3A_3 = arith.cmpi sgt, %add3A, %sign3A : i32
    %sign3A_4 = arith.extui %sign3A_3 : i1 to i32
    %sign3A_5 = arith.constant 0 : i32
    %sign3A_6 = arith.cmpi slt, %add3A, %sign3A_5 : i32
    %sign3A_7 = arith.extui %sign3A_6 : i1 to i32
    %sign3A_8 = arith.subi %sign3A_4, %sign3A_7 : i32
    %sign3A_9 = arith.constant 0 : i32
    %sign3A_10 = arith.cmpi sgt, %jit3A, %sign3A_9 : i32
    %sign3A_11 = arith.extui %sign3A_10 : i1 to i32
    %sign3A_12 = arith.constant 0 : i32
    %sign3A_13 = arith.cmpi slt, %jit3A, %sign3A_12 : i32
    %sign3A_14 = arith.extui %sign3A_13 : i1 to i32
    %sign3A_15 = arith.subi %sign3A_11, %sign3A_14 : i32
    %ne3A = arith.cmpi ne, %sign3A_8, %sign3A_15 : i32
    %rem3A = arith.remsi %add3A, %jit3A : i32
    %ne3A_16 = arith.constant 0 : i32
    %ne3A_17 = arith.cmpi ne, %rem3A, %ne3A_16 : i32
    %and3A = arith.andi %ne3A, %ne3A_17 : i1
    %sub3A = arith.constant 1 : i32
    %sub3A_18 = arith.subi %div3A, %sub3A : i32
    %select_n3A = arith.select %and3A, %sub3A_18, %div3A : i32
    %jit3A_19 = arith.constant 8 : i32
    %eq3A = arith.constant 0 : i32
    %eq3A_20 = arith.cmpi eq, %jit3A_19, %eq3A : i32
    %jit3A_21 = arith.constant 1 : i32
    %select_n3A_22 = arith.select %eq3A_20, %jit3A_21, %jit3A_19 : i32
    %rem3A_23 = arith.remsi %add3A, %select_n3A_22 : i32
    %ne3A_24 = arith.constant 0 : i32
    %ne3A_25 = arith.cmpi ne, %rem3A_23, %ne3A_24 : i32
    %lt3A = arith.constant 0 : i32
    %lt3A_26 = arith.cmpi slt, %rem3A_23, %lt3A : i32
    %lt3A_27 = arith.constant 0 : i32
    %lt3A_28 = arith.cmpi slt, %select_n3A_22, %lt3A_27 : i32
    %ne3A_29 = arith.xori %lt3A_26, %lt3A_28 : i1
    %and3A_30 = arith.andi %ne3A_29, %ne3A_25 : i1
    %add3A_31 = arith.addi %rem3A_23, %select_n3A_22 : i32
    %select_n3A_32 = arith.select %and3A_30, %add3A_31, %rem3A_23 : i32
    %mul3A_33 = arith.constant 512 : i32
    %mul3A_34 = arith.muli %select_n3A_32, %mul3A_33 : i32
    "tpu.region"() ({
      %run_scoped3A = tpu.sem_alloc : memref<!tpu.dma_semaphore, #tpu.memory_space<semaphore_mem>>
      %dma_start3A_125 = arith.constant 0 : i32
      %dma_start3A_126 = tpu.memref_slice %arg5[%dma_start3A_125] : memref<512xi32, #tpu.memory_space<vmem>> -> memref<128xi32, #tpu.memory_space<vmem>>
      %dma_start3A_127 = tpu.memref_slice %arg2[%select_n3A, %mul3A_34] : memref<4x4096xi32, #tpu.memory_space<hbm>> -> memref<1x128xi32, #tpu.memory_space<hbm>>
      %dma_start3A_128 = tpu.memref_squeeze %dma_start3A_127 : memref<1x128xi32, #tpu.memory_space<hbm>> -> memref<128xi32, #tpu.memory_space<hbm>>
      %dma_start3A_129 = arith.constant 0 : i32
      %dma_start3A_130 = tpu.memref_slice %arg5[%dma_start3A_129] : memref<512xi32, #tpu.memory_space<vmem>> -> memref<128xi32, #tpu.memory_space<vmem>>
      %dma_start3A_131 = tpu.memref_slice %arg2[%select_n3A, %mul3A_34] : memref<4x4096xi32, #tpu.memory_space<hbm>> -> memref<1x128xi32, #tpu.memory_space<hbm>>
      %dma_start3A_132 = tpu.memref_squeeze %dma_start3A_131 : memref<1x128xi32, #tpu.memory_space<hbm>> -> memref<128xi32, #tpu.memory_space<hbm>>
      tpu.enqueue_dma source(%dma_start3A_132 : memref<128xi32, #tpu.memory_space<hbm>>) target(%dma_start3A_130 : memref<128xi32, #tpu.memory_space<vmem>>) target_semaphore(%run_scoped3A : memref<!tpu.dma_semaphore, #tpu.memory_space<semaphore_mem>>)
      %dma_wait3A_133 = arith.constant 0 : i32
      %dma_wait3A_134 = tpu.memref_slice %arg5[%dma_wait3A_133] : memref<512xi32, #tpu.memory_space<vmem>> -> memref<128xi32, #tpu.memory_space<vmem>>
      %dma_wait3A_135 = tpu.memref_slice %arg2[%select_n3A, %mul3A_34] : memref<4x4096xi32, #tpu.memory_space<hbm>> -> memref<1x128xi32, #tpu.memory_space<hbm>>
      %dma_wait3A_136 = tpu.memref_squeeze %dma_wait3A_135 : memref<1x128xi32, #tpu.memory_space<hbm>> -> memref<128xi32, #tpu.memory_space<hbm>>
      %dma_wait3A_137 = arith.constant 0 : i32
      %dma_wait3A_138 = tpu.memref_slice %arg5[%dma_wait3A_137] : memref<512xi32, #tpu.memory_space<vmem>> -> memref<128xi32, #tpu.memory_space<vmem>>
      %dma_wait3A_139 = tpu.memref_slice %arg2[%select_n3A, %mul3A_34] : memref<4x4096xi32, #tpu.memory_space<hbm>> -> memref<1x128xi32, #tpu.memory_space<hbm>>
      %dma_wait3A_140 = tpu.memref_squeeze %dma_wait3A_139 : memref<1x128xi32, #tpu.memory_space<hbm>> -> memref<128xi32, #tpu.memory_space<hbm>>
      tpu.wait_dma2 semaphore(%run_scoped3A : memref<!tpu.dma_semaphore, #tpu.memory_space<semaphore_mem>>) src(%dma_wait3A_140 : memref<128xi32, #tpu.memory_space<hbm>>) dst(%dma_wait3A_138 : memref<128xi32, #tpu.memory_space<vmem>>)
      tpu.yield
    }) : () -> ()
    %dma_start3A = arith.constant 0 : i32
    %dma_start3A_35 = arith.constant 0 : i32
    %dma_start3A_36 = arith.constant 0 : i32
    %dma_start3A_37 = tpu.memref_slice %arg6[%dma_start3A, %dma_start3A_35, %dma_start3A_36] : memref<8x8x1024xf32, #tpu.memory_space<vmem>> -> memref<1x8x1024xf32, #tpu.memory_space<vmem>>
    %dma_start3A_38 = tpu.memref_squeeze %dma_start3A_37 : memref<1x8x1024xf32, #tpu.memory_space<vmem>> -> memref<8x1024xf32, #tpu.memory_space<vmem>>
    %dma_start3A_39 = arith.constant 0 : i32
    %dma_start3A_40 = tpu.memref_slice %arg5[%dma_start3A_39] : memref<512xi32, #tpu.memory_space<vmem>> -> memref<8xi32, #tpu.memory_space<vmem>>
    %dma_start3A_41 = arith.constant 0 : i32
    %dma_start3A_42 = arith.constant 0 : i32
    %dma_start3A_43 = tpu.memref_slice %arg3[%dma_start3A_41, %dma_start3A_42] : memref<50257x1024xf32, #tpu.memory_space<hbm>> -> memref<50257x1024xf32, #tpu.memory_space<hbm>>
    tpu.enqueue_indirect_dma source(%dma_start3A_43 : memref<50257x1024xf32, #tpu.memory_space<hbm>>) target(%dma_start3A_38 : memref<8x1024xf32, #tpu.memory_space<vmem>>) offsets(%dma_start3A_40 : memref<8xi32, #tpu.memory_space<vmem>>) semaphore(%arg7 : memref<!tpu.dma_semaphore, #tpu.memory_space<semaphore_mem>>)
    %dma_start3A_44 = arith.constant 1 : i32
    %dma_start3A_45 = arith.constant 0 : i32
    %dma_start3A_46 = arith.constant 0 : i32
    %dma_start3A_47 = tpu.memref_slice %arg6[%dma_start3A_44, %dma_start3A_45, %dma_start3A_46] : memref<8x8x1024xf32, #tpu.memory_space<vmem>> -> memref<1x8x1024xf32, #tpu.memory_space<vmem>>
    %dma_start3A_48 = tpu.memref_squeeze %dma_start3A_47 : memref<1x8x1024xf32, #tpu.memory_space<vmem>> -> memref<8x1024xf32, #tpu.memory_space<vmem>>
    %dma_start3A_49 = arith.constant 8 : i32
    %dma_start3A_50 = tpu.memref_slice %arg5[%dma_start3A_49] : memref<512xi32, #tpu.memory_space<vmem>> -> memref<8xi32, #tpu.memory_space<vmem>>
    %dma_start3A_51 = arith.constant 0 : i32
    %dma_start3A_52 = arith.constant 0 : i32
    %dma_start3A_53 = tpu.memref_slice %arg3[%dma_start3A_51, %dma_start3A_52] : memref<50257x1024xf32, #tpu.memory_space<hbm>> -> memref<50257x1024xf32, #tpu.memory_space<hbm>>
    tpu.enqueue_indirect_dma source(%dma_start3A_53 : memref<50257x1024xf32, #tpu.memory_space<hbm>>) target(%dma_start3A_48 : memref<8x1024xf32, #tpu.memory_space<vmem>>) offsets(%dma_start3A_50 : memref<8xi32, #tpu.memory_space<vmem>>) semaphore(%arg8 : memref<!tpu.dma_semaphore, #tpu.memory_space<semaphore_mem>>)
    %dma_start3A_54 = arith.constant 2 : i32
    %dma_start3A_55 = arith.constant 0 : i32
    %dma_start3A_56 = arith.constant 0 : i32
    %dma_start3A_57 = tpu.memref_slice %arg6[%dma_start3A_54, %dma_start3A_55, %dma_start3A_56] : memref<8x8x1024xf32, #tpu.memory_space<vmem>> -> memref<1x8x1024xf32, #tpu.memory_space<vmem>>
    %dma_start3A_58 = tpu.memref_squeeze %dma_start3A_57 : memref<1x8x1024xf32, #tpu.memory_space<vmem>> -> memref<8x1024xf32, #tpu.memory_space<vmem>>
    %dma_start3A_59 = arith.constant 16 : i32
    %dma_start3A_60 = tpu.memref_slice %arg5[%dma_start3A_59] : memref<512xi32, #tpu.memory_space<vmem>> -> memref<8xi32, #tpu.memory_space<vmem>>
    %dma_start3A_61 = arith.constant 0 : i32
    %dma_start3A_62 = arith.constant 0 : i32
    %dma_start3A_63 = tpu.memref_slice %arg3[%dma_start3A_61, %dma_start3A_62] : memref<50257x1024xf32, #tpu.memory_space<hbm>> -> memref<50257x1024xf32, #tpu.memory_space<hbm>>
    tpu.enqueue_indirect_dma source(%dma_start3A_63 : memref<50257x1024xf32, #tpu.memory_space<hbm>>) target(%dma_start3A_58 : memref<8x1024xf32, #tpu.memory_space<vmem>>) offsets(%dma_start3A_60 : memref<8xi32, #tpu.memory_space<vmem>>) semaphore(%arg9 : memref<!tpu.dma_semaphore, #tpu.memory_space<semaphore_mem>>)
    %dma_start3A_64 = arith.constant 3 : i32
    %dma_start3A_65 = arith.constant 0 : i32
    %dma_start3A_66 = arith.constant 0 : i32
    %dma_start3A_67 = tpu.memref_slice %arg6[%dma_start3A_64, %dma_start3A_65, %dma_start3A_66] : memref<8x8x1024xf32, #tpu.memory_space<vmem>> -> memref<1x8x1024xf32, #tpu.memory_space<vmem>>
    %dma_start3A_68 = tpu.memref_squeeze %dma_start3A_67 : memref<1x8x1024xf32, #tpu.memory_space<vmem>> -> memref<8x1024xf32, #tpu.memory_space<vmem>>
    %dma_start3A_69 = arith.constant 24 : i32
    %dma_start3A_70 = tpu.memref_slice %arg5[%dma_start3A_69] : memref<512xi32, #tpu.memory_space<vmem>> -> memref<8xi32, #tpu.memory_space<vmem>>
    %dma_start3A_71 = arith.constant 0 : i32
    %dma_start3A_72 = arith.constant 0 : i32
    %dma_start3A_73 = tpu.memref_slice %arg3[%dma_start3A_71, %dma_start3A_72] : memref<50257x1024xf32, #tpu.memory_space<hbm>> -> memref<50257x1024xf32, #tpu.memory_space<hbm>>
    tpu.enqueue_indirect_dma source(%dma_start3A_73 : memref<50257x1024xf32, #tpu.memory_space<hbm>>) target(%dma_start3A_68 : memref<8x1024xf32, #tpu.memory_space<vmem>>) offsets(%dma_start3A_70 : memref<8xi32, #tpu.memory_space<vmem>>) semaphore(%arg10 : memref<!tpu.dma_semaphore, #tpu.memory_space<semaphore_mem>>)
    %dma_start3A_74 = arith.constant 4 : i32
    %dma_start3A_75 = arith.constant 0 : i32
    %dma_start3A_76 = arith.constant 0 : i32
    %dma_start3A_77 = tpu.memref_slice %arg6[%dma_start3A_74, %dma_start3A_75, %dma_start3A_76] : memref<8x8x1024xf32, #tpu.memory_space<vmem>> -> memref<1x8x1024xf32, #tpu.memory_space<vmem>>
    %dma_start3A_78 = tpu.memref_squeeze %dma_start3A_77 : memref<1x8x1024xf32, #tpu.memory_space<vmem>> -> memref<8x1024xf32, #tpu.memory_space<vmem>>
    %dma_start3A_79 = arith.constant 32 : i32
    %dma_start3A_80 = tpu.memref_slice %arg5[%dma_start3A_79] : memref<512xi32, #tpu.memory_space<vmem>> -> memref<8xi32, #tpu.memory_space<vmem>>
    %dma_start3A_81 = arith.constant 0 : i32
    %dma_start3A_82 = arith.constant 0 : i32
    %dma_start3A_83 = tpu.memref_slice %arg3[%dma_start3A_81, %dma_start3A_82] : memref<50257x1024xf32, #tpu.memory_space<hbm>> -> memref<50257x1024xf32, #tpu.memory_space<hbm>>
    tpu.enqueue_indirect_dma source(%dma_start3A_83 : memref<50257x1024xf32, #tpu.memory_space<hbm>>) target(%dma_start3A_78 : memref<8x1024xf32, #tpu.memory_space<vmem>>) offsets(%dma_start3A_80 : memref<8xi32, #tpu.memory_space<vmem>>) semaphore(%arg11 : memref<!tpu.dma_semaphore, #tpu.memory_space<semaphore_mem>>)
    %dma_start3A_84 = arith.constant 5 : i32
    %dma_start3A_85 = arith.constant 0 : i32
    %dma_start3A_86 = arith.constant 0 : i32
    %dma_start3A_87 = tpu.memref_slice %arg6[%dma_start3A_84, %dma_start3A_85, %dma_start3A_86] : memref<8x8x1024xf32, #tpu.memory_space<vmem>> -> memref<1x8x1024xf32, #tpu.memory_space<vmem>>
    %dma_start3A_88 = tpu.memref_squeeze %dma_start3A_87 : memref<1x8x1024xf32, #tpu.memory_space<vmem>> -> memref<8x1024xf32, #tpu.memory_space<vmem>>
    %dma_start3A_89 = arith.constant 40 : i32
    %dma_start3A_90 = tpu.memref_slice %arg5[%dma_start3A_89] : memref<512xi32, #tpu.memory_space<vmem>> -> memref<8xi32, #tpu.memory_space<vmem>>
    %dma_start3A_91 = arith.constant 0 : i32
    %dma_start3A_92 = arith.constant 0 : i32
    %dma_start3A_93 = tpu.memref_slice %arg3[%dma_start3A_91, %dma_start3A_92] : memref<50257x1024xf32, #tpu.memory_space<hbm>> -> memref<50257x1024xf32, #tpu.memory_space<hbm>>
    tpu.enqueue_indirect_dma source(%dma_start3A_93 : memref<50257x1024xf32, #tpu.memory_space<hbm>>) target(%dma_start3A_88 : memref<8x1024xf32, #tpu.memory_space<vmem>>) offsets(%dma_start3A_90 : memref<8xi32, #tpu.memory_space<vmem>>) semaphore(%arg12 : memref<!tpu.dma_semaphore, #tpu.memory_space<semaphore_mem>>)
    %dma_start3A_94 = arith.constant 6 : i32
    %dma_start3A_95 = arith.constant 0 : i32
    %dma_start3A_96 = arith.constant 0 : i32
    %dma_start3A_97 = tpu.memref_slice %arg6[%dma_start3A_94, %dma_start3A_95, %dma_start3A_96] : memref<8x8x1024xf32, #tpu.memory_space<vmem>> -> memref<1x8x1024xf32, #tpu.memory_space<vmem>>
    %dma_start3A_98 = tpu.memref_squeeze %dma_start3A_97 : memref<1x8x1024xf32, #tpu.memory_space<vmem>> -> memref<8x1024xf32, #tpu.memory_space<vmem>>
    %dma_start3A_99 = arith.constant 48 : i32
    %dma_start3A_100 = tpu.memref_slice %arg5[%dma_start3A_99] : memref<512xi32, #tpu.memory_space<vmem>> -> memref<8xi32, #tpu.memory_space<vmem>>
    %dma_start3A_101 = arith.constant 0 : i32
    %dma_start3A_102 = arith.constant 0 : i32
    %dma_start3A_103 = tpu.memref_slice %arg3[%dma_start3A_101, %dma_start3A_102] : memref<50257x1024xf32, #tpu.memory_space<hbm>> -> memref<50257x1024xf32, #tpu.memory_space<hbm>>
    tpu.enqueue_indirect_dma source(%dma_start3A_103 : memref<50257x1024xf32, #tpu.memory_space<hbm>>) target(%dma_start3A_98 : memref<8x1024xf32, #tpu.memory_space<vmem>>) offsets(%dma_start3A_100 : memref<8xi32, #tpu.memory_space<vmem>>) semaphore(%arg13 : memref<!tpu.dma_semaphore, #tpu.memory_space<semaphore_mem>>)
    %add3A_104 = arith.constant 128 : i32
    %add3A_105 = arith.addi %mul3A_34, %add3A_104 : i32
    "tpu.region"() ({
      %run_scoped3A = tpu.sem_alloc : memref<!tpu.dma_semaphore, #tpu.memory_space<semaphore_mem>>
      %dma_start3A_125 = arith.constant 128 : i32
      %dma_start3A_126 = tpu.memref_slice %arg5[%dma_start3A_125] : memref<512xi32, #tpu.memory_space<vmem>> -> memref<384xi32, #tpu.memory_space<vmem>>
      %dma_start3A_127 = tpu.memref_slice %arg2[%select_n3A, %add3A_105] : memref<4x4096xi32, #tpu.memory_space<hbm>> -> memref<1x384xi32, #tpu.memory_space<hbm>>
      %dma_start3A_128 = tpu.memref_squeeze %dma_start3A_127 : memref<1x384xi32, #tpu.memory_space<hbm>> -> memref<384xi32, #tpu.memory_space<hbm>>
      %dma_start3A_129 = arith.constant 128 : i32
      %dma_start3A_130 = tpu.memref_slice %arg5[%dma_start3A_129] : memref<512xi32, #tpu.memory_space<vmem>> -> memref<384xi32, #tpu.memory_space<vmem>>
      %dma_start3A_131 = tpu.memref_slice %arg2[%select_n3A, %add3A_105] : memref<4x4096xi32, #tpu.memory_space<hbm>> -> memref<1x384xi32, #tpu.memory_space<hbm>>
      %dma_start3A_132 = tpu.memref_squeeze %dma_start3A_131 : memref<1x384xi32, #tpu.memory_space<hbm>> -> memref<384xi32, #tpu.memory_space<hbm>>
      tpu.enqueue_dma source(%dma_start3A_132 : memref<384xi32, #tpu.memory_space<hbm>>) target(%dma_start3A_130 : memref<384xi32, #tpu.memory_space<vmem>>) target_semaphore(%run_scoped3A : memref<!tpu.dma_semaphore, #tpu.memory_space<semaphore_mem>>)
      %dma_wait3A_133 = arith.constant 128 : i32
      %dma_wait3A_134 = tpu.memref_slice %arg5[%dma_wait3A_133] : memref<512xi32, #tpu.memory_space<vmem>> -> memref<384xi32, #tpu.memory_space<vmem>>
      %dma_wait3A_135 = tpu.memref_slice %arg2[%select_n3A, %add3A_105] : memref<4x4096xi32, #tpu.memory_space<hbm>> -> memref<1x384xi32, #tpu.memory_space<hbm>>
      %dma_wait3A_136 = tpu.memref_squeeze %dma_wait3A_135 : memref<1x384xi32, #tpu.memory_space<hbm>> -> memref<384xi32, #tpu.memory_space<hbm>>
      %dma_wait3A_137 = arith.constant 128 : i32
      %dma_wait3A_138 = tpu.memref_slice %arg5[%dma_wait3A_137] : memref<512xi32, #tpu.memory_space<vmem>> -> memref<384xi32, #tpu.memory_space<vmem>>
      %dma_wait3A_139 = tpu.memref_slice %arg2[%select_n3A, %add3A_105] : memref<4x4096xi32, #tpu.memory_space<hbm>> -> memref<1x384xi32, #tpu.memory_space<hbm>>
      %dma_wait3A_140 = tpu.memref_squeeze %dma_wait3A_139 : memref<1x384xi32, #tpu.memory_space<hbm>> -> memref<384xi32, #tpu.memory_space<hbm>>
      tpu.wait_dma2 semaphore(%run_scoped3A : memref<!tpu.dma_semaphore, #tpu.memory_space<semaphore_mem>>) src(%dma_wait3A_140 : memref<384xi32, #tpu.memory_space<hbm>>) dst(%dma_wait3A_138 : memref<384xi32, #tpu.memory_space<vmem>>)
      tpu.yield
    }) : () -> ()
    %scan3A = arith.constant 0 : i32
    %scan3A_106 = arith.constant 0 : i32
    %scan3A_107 = arith.constant 8 : i32
    %scan3A_108 = arith.addi %scan3A_106, %scan3A_107 : i32
    %scan3A_109 = arith.constant 1 : i32
    scf.for %scan3A_125 = %scan3A_106 to %scan3A_108 step %scan3A_109  : i32 {
      %mul3A_126 = arith.constant 8 : i32
      %mul3A_127 = arith.muli %scan3A_125, %mul3A_126 : i32
      %add3A_128 = arith.constant 0 : i32
      %add3A_129 = arith.addi %mul3A_127, %add3A_128 : i32
      %ge3A = arith.constant 1 : i32
      %ge3A_130 = arith.cmpi sge, %add3A_129, %ge3A : i32
      %convert_element_type3A = arith.extui %ge3A_130 : i1 to i32
      %cond3A = arith.constant 0 : i32
      %cond3A_131 = arith.cmpi ne, %convert_element_type3A, %cond3A : i32
      scf.if %cond3A_131 {
        %sub3A_483 = arith.constant 1 : i32
        %sub3A_484 = arith.subi %add3A_129, %sub3A_483 : i32
        %mul3A_485 = arith.constant 8 : i32
        %mul3A_486 = arith.muli %sub3A_484, %mul3A_485 : i32
        %add3A_487 = arith.addi %mul3A_2, %mul3A_486 : i32
        %dma_wait3A_488 = arith.constant 7 : i32
        %dma_wait3A_489 = arith.constant 0 : i32
        %dma_wait3A_490 = arith.constant 0 : i32
        %dma_wait3A_491 = tpu.memref_slice %arg6[%dma_wait3A_488, %dma_wait3A_489, %dma_wait3A_490] : memref<8x8x1024xf32, #tpu.memory_space<vmem>> -> memref<1x8x1024xf32, #tpu.memory_space<vmem>>
        %dma_wait3A_492 = tpu.memref_squeeze %dma_wait3A_491 : memref<1x8x1024xf32, #tpu.memory_space<vmem>> -> memref<8x1024xf32, #tpu.memory_space<vmem>>
        %dma_wait3A_493 = arith.constant 0 : i32
        %dma_wait3A_494 = tpu.memref_slice %arg4[%add3A_487, %dma_wait3A_493] : memref<16384x1024xf32, #tpu.memory_space<hbm>> -> memref<8x1024xf32, #tpu.memory_space<hbm>>
        %dma_wait3A_495 = arith.constant 0 : i32
        %dma_wait3A_496 = tpu.memref_slice %arg4[%add3A_487, %dma_wait3A_495] : memref<16384x1024xf32, #tpu.memory_space<hbm>> -> memref<8x1024xf32, #tpu.memory_space<hbm>>
        %dma_wait3A_497 = arith.constant 0 : i32
        %dma_wait3A_498 = arith.constant 0 : i32
        %dma_wait3A_499 = tpu.memref_slice %arg6[%dma_wait3A_488, %dma_wait3A_497, %dma_wait3A_498] : memref<8x8x1024xf32, #tpu.memory_space<vmem>> -> memref<1x8x1024xf32, #tpu.memory_space<vmem>>
        %dma_wait3A_500 = tpu.memref_squeeze %dma_wait3A_499 : memref<1x8x1024xf32, #tpu.memory_space<vmem>> -> memref<8x1024xf32, #tpu.memory_space<vmem>>
        tpu.wait_dma2 semaphore(%arg22 : memref<!tpu.dma_semaphore, #tpu.memory_space<semaphore_mem>>) src(%dma_wait3A_500 : memref<8x1024xf32, #tpu.memory_space<vmem>>) dst(%dma_wait3A_496 : memref<8x1024xf32, #tpu.memory_space<hbm>>)
      } else {
      }
      %add3A_132 = arith.constant 8 : i32
      %add3A_133 = arith.addi %add3A_129, %add3A_132 : i32
      %sub3A_134 = arith.constant 1 : i32
      %sub3A_135 = arith.subi %add3A_133, %sub3A_134 : i32
      %lt3A_136 = arith.constant 64 : i32
      %lt3A_137 = arith.cmpi slt, %sub3A_135, %lt3A_136 : i32
      %convert_element_type3A_138 = arith.extui %lt3A_137 : i1 to i32
      %cond3A_139 = arith.constant 0 : i32
      %cond3A_140 = arith.cmpi ne, %convert_element_type3A_138, %cond3A_139 : i32
      scf.if %cond3A_140 {
        %add3A_483 = arith.constant 8 : i32
        %add3A_484 = arith.addi %add3A_129, %add3A_483 : i32
        %sub3A_485 = arith.constant 1 : i32
        %sub3A_486 = arith.subi %add3A_484, %sub3A_485 : i32
        %mul3A_487 = arith.constant 8 : i32
        %mul3A_488 = arith.muli %sub3A_486, %mul3A_487 : i32
        %dma_start3A_489 = arith.constant 7 : i32
        %dma_start3A_490 = arith.constant 0 : i32
        %dma_start3A_491 = arith.constant 0 : i32
        %dma_start3A_492 = tpu.memref_slice %arg6[%dma_start3A_489, %dma_start3A_490, %dma_start3A_491] : memref<8x8x1024xf32, #tpu.memory_space<vmem>> -> memref<1x8x1024xf32, #tpu.memory_space<vmem>>
        %dma_start3A_493 = tpu.memref_squeeze %dma_start3A_492 : memref<1x8x1024xf32, #tpu.memory_space<vmem>> -> memref<8x1024xf32, #tpu.memory_space<vmem>>
        %dma_start3A_494 = tpu.memref_slice %arg5[%mul3A_488] : memref<512xi32, #tpu.memory_space<vmem>> -> memref<8xi32, #tpu.memory_space<vmem>>
        %dma_start3A_495 = arith.constant 0 : i32
        %dma_start3A_496 = arith.constant 0 : i32
        %dma_start3A_497 = tpu.memref_slice %arg3[%dma_start3A_495, %dma_start3A_496] : memref<50257x1024xf32, #tpu.memory_space<hbm>> -> memref<50257x1024xf32, #tpu.memory_space<hbm>>
        tpu.enqueue_indirect_dma source(%dma_start3A_497 : memref<50257x1024xf32, #tpu.memory_space<hbm>>) target(%dma_start3A_493 : memref<8x1024xf32, #tpu.memory_space<vmem>>) offsets(%dma_start3A_494 : memref<8xi32, #tpu.memory_space<vmem>>) semaphore(%arg14 : memref<!tpu.dma_semaphore, #tpu.memory_space<semaphore_mem>>)
      } else {
      }
      %mul3A_141 = arith.constant 8 : i32
      %mul3A_142 = arith.muli %add3A_129, %mul3A_141 : i32
      %dma_wait3A_143 = arith.constant 0 : i32
      %dma_wait3A_144 = arith.constant 0 : i32
      %dma_wait3A_145 = arith.constant 0 : i32
      %dma_wait3A_146 = tpu.memref_slice %arg6[%dma_wait3A_143, %dma_wait3A_144, %dma_wait3A_145] : memref<8x8x1024xf32, #tpu.memory_space<vmem>> -> memref<1x8x1024xf32, #tpu.memory_space<vmem>>
      %dma_wait3A_147 = tpu.memref_squeeze %dma_wait3A_146 : memref<1x8x1024xf32, #tpu.memory_space<vmem>> -> memref<8x1024xf32, #tpu.memory_space<vmem>>
      %dma_wait3A_148 = tpu.memref_slice %arg5[%mul3A_142] : memref<512xi32, #tpu.memory_space<vmem>> -> memref<8xi32, #tpu.memory_space<vmem>>
      %dma_wait3A_149 = arith.constant 0 : i32
      %dma_wait3A_150 = arith.constant 0 : i32
      %dma_wait3A_151 = tpu.memref_slice %arg3[%dma_wait3A_149, %dma_wait3A_150] : memref<50257x1024xf32, #tpu.memory_space<hbm>> -> memref<50257x1024xf32, #tpu.memory_space<hbm>>
      tpu.wait_indirect_dma semaphore(%arg7 : memref<!tpu.dma_semaphore, #tpu.memory_space<semaphore_mem>>) src(%dma_wait3A_151 : memref<50257x1024xf32, #tpu.memory_space<hbm>>) dst(%dma_wait3A_147 : memref<8x1024xf32, #tpu.memory_space<vmem>>)
      %mul3A_152 = arith.constant 8 : i32
      %mul3A_153 = arith.muli %add3A_129, %mul3A_152 : i32
      %add3A_154 = arith.addi %mul3A_2, %mul3A_153 : i32
      %dma_start3A_155 = arith.constant 0 : i32
      %dma_start3A_156 = arith.constant 0 : i32
      %dma_start3A_157 = arith.constant 0 : i32
      %dma_start3A_158 = tpu.memref_slice %arg6[%dma_start3A_155, %dma_start3A_156, %dma_start3A_157] : memref<8x8x1024xf32, #tpu.memory_space<vmem>> -> memref<1x8x1024xf32, #tpu.memory_space<vmem>>
      %dma_start3A_159 = tpu.memref_squeeze %dma_start3A_158 : memref<1x8x1024xf32, #tpu.memory_space<vmem>> -> memref<8x1024xf32, #tpu.memory_space<vmem>>
      %dma_start3A_160 = arith.constant 0 : i32
      %dma_start3A_161 = tpu.memref_slice %arg4[%add3A_154, %dma_start3A_160] : memref<16384x1024xf32, #tpu.memory_space<hbm>> -> memref<8x1024xf32, #tpu.memory_space<hbm>>
      %dma_start3A_162 = arith.constant 0 : i32
      %dma_start3A_163 = tpu.memref_slice %arg4[%add3A_154, %dma_start3A_162] : memref<16384x1024xf32, #tpu.memory_space<hbm>> -> memref<8x1024xf32, #tpu.memory_space<hbm>>
      %dma_start3A_164 = arith.constant 0 : i32
      %dma_start3A_165 = arith.constant 0 : i32
      %dma_start3A_166 = tpu.memref_slice %arg6[%dma_start3A_155, %dma_start3A_164, %dma_start3A_165] : memref<8x8x1024xf32, #tpu.memory_space<vmem>> -> memref<1x8x1024xf32, #tpu.memory_space<vmem>>
      %dma_start3A_167 = tpu.memref_squeeze %dma_start3A_166 : memref<1x8x1024xf32, #tpu.memory_space<vmem>> -> memref<8x1024xf32, #tpu.memory_space<vmem>>
      tpu.enqueue_dma source(%dma_start3A_167 : memref<8x1024xf32, #tpu.memory_space<vmem>>) target(%dma_start3A_163 : memref<8x1024xf32, #tpu.memory_space<hbm>>) target_semaphore(%arg15 : memref<!tpu.dma_semaphore, #tpu.memory_space<semaphore_mem>>)
      %mul3A_168 = arith.constant 8 : i32
      %mul3A_169 = arith.muli %scan3A_125, %mul3A_168 : i32
      %add3A_170 = arith.constant 1 : i32
      %add3A_171 = arith.addi %mul3A_169, %add3A_170 : i32
      %ge3A_172 = arith.constant 1 : i32
      %ge3A_173 = arith.cmpi sge, %add3A_171, %ge3A_172 : i32
      %convert_element_type3A_174 = arith.extui %ge3A_173 : i1 to i32
      %cond3A_175 = arith.constant 0 : i32
      %cond3A_176 = arith.cmpi ne, %convert_element_type3A_174, %cond3A_175 : i32
      scf.if %cond3A_176 {
        %sub3A_483 = arith.constant 1 : i32
        %sub3A_484 = arith.subi %add3A_171, %sub3A_483 : i32
        %mul3A_485 = arith.constant 8 : i32
        %mul3A_486 = arith.muli %sub3A_484, %mul3A_485 : i32
        %add3A_487 = arith.addi %mul3A_2, %mul3A_486 : i32
        %dma_wait3A_488 = arith.constant 0 : i32
        %dma_wait3A_489 = arith.constant 0 : i32
        %dma_wait3A_490 = arith.constant 0 : i32
        %dma_wait3A_491 = tpu.memref_slice %arg6[%dma_wait3A_488, %dma_wait3A_489, %dma_wait3A_490] : memref<8x8x1024xf32, #tpu.memory_space<vmem>> -> memref<1x8x1024xf32, #tpu.memory_space<vmem>>
        %dma_wait3A_492 = tpu.memref_squeeze %dma_wait3A_491 : memref<1x8x1024xf32, #tpu.memory_space<vmem>> -> memref<8x1024xf32, #tpu.memory_space<vmem>>
        %dma_wait3A_493 = arith.constant 0 : i32
        %dma_wait3A_494 = tpu.memref_slice %arg4[%add3A_487, %dma_wait3A_493] : memref<16384x1024xf32, #tpu.memory_space<hbm>> -> memref<8x1024xf32, #tpu.memory_space<hbm>>
        %dma_wait3A_495 = arith.constant 0 : i32
        %dma_wait3A_496 = tpu.memref_slice %arg4[%add3A_487, %dma_wait3A_495] : memref<16384x1024xf32, #tpu.memory_space<hbm>> -> memref<8x1024xf32, #tpu.memory_space<hbm>>
        %dma_wait3A_497 = arith.constant 0 : i32
        %dma_wait3A_498 = arith.constant 0 : i32
        %dma_wait3A_499 = tpu.memref_slice %arg6[%dma_wait3A_488, %dma_wait3A_497, %dma_wait3A_498] : memref<8x8x1024xf32, #tpu.memory_space<vmem>> -> memref<1x8x1024xf32, #tpu.memory_space<vmem>>
        %dma_wait3A_500 = tpu.memref_squeeze %dma_wait3A_499 : memref<1x8x1024xf32, #tpu.memory_space<vmem>> -> memref<8x1024xf32, #tpu.memory_space<vmem>>
        tpu.wait_dma2 semaphore(%arg15 : memref<!tpu.dma_semaphore, #tpu.memory_space<semaphore_mem>>) src(%dma_wait3A_500 : memref<8x1024xf32, #tpu.memory_space<vmem>>) dst(%dma_wait3A_496 : memref<8x1024xf32, #tpu.memory_space<hbm>>)
      } else {
      }
      %add3A_177 = arith.constant 8 : i32
      %add3A_178 = arith.addi %add3A_171, %add3A_177 : i32
      %sub3A_179 = arith.constant 1 : i32
      %sub3A_180 = arith.subi %add3A_178, %sub3A_179 : i32
      %lt3A_181 = arith.constant 64 : i32
      %lt3A_182 = arith.cmpi slt, %sub3A_180, %lt3A_181 : i32
      %convert_element_type3A_183 = arith.extui %lt3A_182 : i1 to i32
      %cond3A_184 = arith.constant 0 : i32
      %cond3A_185 = arith.cmpi ne, %convert_element_type3A_183, %cond3A_184 : i32
      scf.if %cond3A_185 {
        %add3A_483 = arith.constant 8 : i32
        %add3A_484 = arith.addi %add3A_171, %add3A_483 : i32
        %sub3A_485 = arith.constant 1 : i32
        %sub3A_486 = arith.subi %add3A_484, %sub3A_485 : i32
        %mul3A_487 = arith.constant 8 : i32
        %mul3A_488 = arith.muli %sub3A_486, %mul3A_487 : i32
        %dma_start3A_489 = arith.constant 0 : i32
        %dma_start3A_490 = arith.constant 0 : i32
        %dma_start3A_491 = arith.constant 0 : i32
        %dma_start3A_492 = tpu.memref_slice %arg6[%dma_start3A_489, %dma_start3A_490, %dma_start3A_491] : memref<8x8x1024xf32, #tpu.memory_space<vmem>> -> memref<1x8x1024xf32, #tpu.memory_space<vmem>>
        %dma_start3A_493 = tpu.memref_squeeze %dma_start3A_492 : memref<1x8x1024xf32, #tpu.memory_space<vmem>> -> memref<8x1024xf32, #tpu.memory_space<vmem>>
        %dma_start3A_494 = tpu.memref_slice %arg5[%mul3A_488] : memref<512xi32, #tpu.memory_space<vmem>> -> memref<8xi32, #tpu.memory_space<vmem>>
        %dma_start3A_495 = arith.constant 0 : i32
        %dma_start3A_496 = arith.constant 0 : i32
        %dma_start3A_497 = tpu.memref_slice %arg3[%dma_start3A_495, %dma_start3A_496] : memref<50257x1024xf32, #tpu.memory_space<hbm>> -> memref<50257x1024xf32, #tpu.memory_space<hbm>>
        tpu.enqueue_indirect_dma source(%dma_start3A_497 : memref<50257x1024xf32, #tpu.memory_space<hbm>>) target(%dma_start3A_493 : memref<8x1024xf32, #tpu.memory_space<vmem>>) offsets(%dma_start3A_494 : memref<8xi32, #tpu.memory_space<vmem>>) semaphore(%arg7 : memref<!tpu.dma_semaphore, #tpu.memory_space<semaphore_mem>>)
      } else {
      }
      %mul3A_186 = arith.constant 8 : i32
      %mul3A_187 = arith.muli %add3A_171, %mul3A_186 : i32
      %dma_wait3A_188 = arith.constant 1 : i32
      %dma_wait3A_189 = arith.constant 0 : i32
      %dma_wait3A_190 = arith.constant 0 : i32
      %dma_wait3A_191 = tpu.memref_slice %arg6[%dma_wait3A_188, %dma_wait3A_189, %dma_wait3A_190] : memref<8x8x1024xf32, #tpu.memory_space<vmem>> -> memref<1x8x1024xf32, #tpu.memory_space<vmem>>
      %dma_wait3A_192 = tpu.memref_squeeze %dma_wait3A_191 : memref<1x8x1024xf32, #tpu.memory_space<vmem>> -> memref<8x1024xf32, #tpu.memory_space<vmem>>
      %dma_wait3A_193 = tpu.memref_slice %arg5[%mul3A_187] : memref<512xi32, #tpu.memory_space<vmem>> -> memref<8xi32, #tpu.memory_space<vmem>>
      %dma_wait3A_194 = arith.constant 0 : i32
      %dma_wait3A_195 = arith.constant 0 : i32
      %dma_wait3A_196 = tpu.memref_slice %arg3[%dma_wait3A_194, %dma_wait3A_195] : memref<50257x1024xf32, #tpu.memory_space<hbm>> -> memref<50257x1024xf32, #tpu.memory_space<hbm>>
      tpu.wait_indirect_dma semaphore(%arg8 : memref<!tpu.dma_semaphore, #tpu.memory_space<semaphore_mem>>) src(%dma_wait3A_196 : memref<50257x1024xf32, #tpu.memory_space<hbm>>) dst(%dma_wait3A_192 : memref<8x1024xf32, #tpu.memory_space<vmem>>)
      %mul3A_197 = arith.constant 8 : i32
      %mul3A_198 = arith.muli %add3A_171, %mul3A_197 : i32
      %add3A_199 = arith.addi %mul3A_2, %mul3A_198 : i32
      %dma_start3A_200 = arith.constant 1 : i32
      %dma_start3A_201 = arith.constant 0 : i32
      %dma_start3A_202 = arith.constant 0 : i32
      %dma_start3A_203 = tpu.memref_slice %arg6[%dma_start3A_200, %dma_start3A_201, %dma_start3A_202] : memref<8x8x1024xf32, #tpu.memory_space<vmem>> -> memref<1x8x1024xf32, #tpu.memory_space<vmem>>
      %dma_start3A_204 = tpu.memref_squeeze %dma_start3A_203 : memref<1x8x1024xf32, #tpu.memory_space<vmem>> -> memref<8x1024xf32, #tpu.memory_space<vmem>>
      %dma_start3A_205 = arith.constant 0 : i32
      %dma_start3A_206 = tpu.memref_slice %arg4[%add3A_199, %dma_start3A_205] : memref<16384x1024xf32, #tpu.memory_space<hbm>> -> memref<8x1024xf32, #tpu.memory_space<hbm>>
      %dma_start3A_207 = arith.constant 0 : i32
      %dma_start3A_208 = tpu.memref_slice %arg4[%add3A_199, %dma_start3A_207] : memref<16384x1024xf32, #tpu.memory_space<hbm>> -> memref<8x1024xf32, #tpu.memory_space<hbm>>
      %dma_start3A_209 = arith.constant 0 : i32
      %dma_start3A_210 = arith.constant 0 : i32
      %dma_start3A_211 = tpu.memref_slice %arg6[%dma_start3A_200, %dma_start3A_209, %dma_start3A_210] : memref<8x8x1024xf32, #tpu.memory_space<vmem>> -> memref<1x8x1024xf32, #tpu.memory_space<vmem>>
      %dma_start3A_212 = tpu.memref_squeeze %dma_start3A_211 : memref<1x8x1024xf32, #tpu.memory_space<vmem>> -> memref<8x1024xf32, #tpu.memory_space<vmem>>
      tpu.enqueue_dma source(%dma_start3A_212 : memref<8x1024xf32, #tpu.memory_space<vmem>>) target(%dma_start3A_208 : memref<8x1024xf32, #tpu.memory_space<hbm>>) target_semaphore(%arg16 : memref<!tpu.dma_semaphore, #tpu.memory_space<semaphore_mem>>)
      %mul3A_213 = arith.constant 8 : i32
      %mul3A_214 = arith.muli %scan3A_125, %mul3A_213 : i32
      %add3A_215 = arith.constant 2 : i32
      %add3A_216 = arith.addi %mul3A_214, %add3A_215 : i32
      %ge3A_217 = arith.constant 1 : i32
      %ge3A_218 = arith.cmpi sge, %add3A_216, %ge3A_217 : i32
      %convert_element_type3A_219 = arith.extui %ge3A_218 : i1 to i32
      %cond3A_220 = arith.constant 0 : i32
      %cond3A_221 = arith.cmpi ne, %convert_element_type3A_219, %cond3A_220 : i32
      scf.if %cond3A_221 {
        %sub3A_483 = arith.constant 1 : i32
        %sub3A_484 = arith.subi %add3A_216, %sub3A_483 : i32
        %mul3A_485 = arith.constant 8 : i32
        %mul3A_486 = arith.muli %sub3A_484, %mul3A_485 : i32
        %add3A_487 = arith.addi %mul3A_2, %mul3A_486 : i32
        %dma_wait3A_488 = arith.constant 1 : i32
        %dma_wait3A_489 = arith.constant 0 : i32
        %dma_wait3A_490 = arith.constant 0 : i32
        %dma_wait3A_491 = tpu.memref_slice %arg6[%dma_wait3A_488, %dma_wait3A_489, %dma_wait3A_490] : memref<8x8x1024xf32, #tpu.memory_space<vmem>> -> memref<1x8x1024xf32, #tpu.memory_space<vmem>>
        %dma_wait3A_492 = tpu.memref_squeeze %dma_wait3A_491 : memref<1x8x1024xf32, #tpu.memory_space<vmem>> -> memref<8x1024xf32, #tpu.memory_space<vmem>>
        %dma_wait3A_493 = arith.constant 0 : i32
        %dma_wait3A_494 = tpu.memref_slice %arg4[%add3A_487, %dma_wait3A_493] : memref<16384x1024xf32, #tpu.memory_space<hbm>> -> memref<8x1024xf32, #tpu.memory_space<hbm>>
        %dma_wait3A_495 = arith.constant 0 : i32
        %dma_wait3A_496 = tpu.memref_slice %arg4[%add3A_487, %dma_wait3A_495] : memref<16384x1024xf32, #tpu.memory_space<hbm>> -> memref<8x1024xf32, #tpu.memory_space<hbm>>
        %dma_wait3A_497 = arith.constant 0 : i32
        %dma_wait3A_498 = arith.constant 0 : i32
        %dma_wait3A_499 = tpu.memref_slice %arg6[%dma_wait3A_488, %dma_wait3A_497, %dma_wait3A_498] : memref<8x8x1024xf32, #tpu.memory_space<vmem>> -> memref<1x8x1024xf32, #tpu.memory_space<vmem>>
        %dma_wait3A_500 = tpu.memref_squeeze %dma_wait3A_499 : memref<1x8x1024xf32, #tpu.memory_space<vmem>> -> memref<8x1024xf32, #tpu.memory_space<vmem>>
        tpu.wait_dma2 semaphore(%arg16 : memref<!tpu.dma_semaphore, #tpu.memory_space<semaphore_mem>>) src(%dma_wait3A_500 : memref<8x1024xf32, #tpu.memory_space<vmem>>) dst(%dma_wait3A_496 : memref<8x1024xf32, #tpu.memory_space<hbm>>)
      } else {
      }
      %add3A_222 = arith.constant 8 : i32
      %add3A_223 = arith.addi %add3A_216, %add3A_222 : i32
      %sub3A_224 = arith.constant 1 : i32
      %sub3A_225 = arith.subi %add3A_223, %sub3A_224 : i32
      %lt3A_226 = arith.constant 64 : i32
      %lt3A_227 = arith.cmpi slt, %sub3A_225, %lt3A_226 : i32
      %convert_element_type3A_228 = arith.extui %lt3A_227 : i1 to i32
      %cond3A_229 = arith.constant 0 : i32
      %cond3A_230 = arith.cmpi ne, %convert_element_type3A_228, %cond3A_229 : i32
      scf.if %cond3A_230 {
        %add3A_483 = arith.constant 8 : i32
        %add3A_484 = arith.addi %add3A_216, %add3A_483 : i32
        %sub3A_485 = arith.constant 1 : i32
        %sub3A_486 = arith.subi %add3A_484, %sub3A_485 : i32
        %mul3A_487 = arith.constant 8 : i32
        %mul3A_488 = arith.muli %sub3A_486, %mul3A_487 : i32
        %dma_start3A_489 = arith.constant 1 : i32
        %dma_start3A_490 = arith.constant 0 : i32
        %dma_start3A_491 = arith.constant 0 : i32
        %dma_start3A_492 = tpu.memref_slice %arg6[%dma_start3A_489, %dma_start3A_490, %dma_start3A_491] : memref<8x8x1024xf32, #tpu.memory_space<vmem>> -> memref<1x8x1024xf32, #tpu.memory_space<vmem>>
        %dma_start3A_493 = tpu.memref_squeeze %dma_start3A_492 : memref<1x8x1024xf32, #tpu.memory_space<vmem>> -> memref<8x1024xf32, #tpu.memory_space<vmem>>
        %dma_start3A_494 = tpu.memref_slice %arg5[%mul3A_488] : memref<512xi32, #tpu.memory_space<vmem>> -> memref<8xi32, #tpu.memory_space<vmem>>
        %dma_start3A_495 = arith.constant 0 : i32
        %dma_start3A_496 = arith.constant 0 : i32
        %dma_start3A_497 = tpu.memref_slice %arg3[%dma_start3A_495, %dma_start3A_496] : memref<50257x1024xf32, #tpu.memory_space<hbm>> -> memref<50257x1024xf32, #tpu.memory_space<hbm>>
        tpu.enqueue_indirect_dma source(%dma_start3A_497 : memref<50257x1024xf32, #tpu.memory_space<hbm>>) target(%dma_start3A_493 : memref<8x1024xf32, #tpu.memory_space<vmem>>) offsets(%dma_start3A_494 : memref<8xi32, #tpu.memory_space<vmem>>) semaphore(%arg8 : memref<!tpu.dma_semaphore, #tpu.memory_space<semaphore_mem>>)
      } else {
      }
      %mul3A_231 = arith.constant 8 : i32
      %mul3A_232 = arith.muli %add3A_216, %mul3A_231 : i32
      %dma_wait3A_233 = arith.constant 2 : i32
      %dma_wait3A_234 = arith.constant 0 : i32
      %dma_wait3A_235 = arith.constant 0 : i32
      %dma_wait3A_236 = tpu.memref_slice %arg6[%dma_wait3A_233, %dma_wait3A_234, %dma_wait3A_235] : memref<8x8x1024xf32, #tpu.memory_space<vmem>> -> memref<1x8x1024xf32, #tpu.memory_space<vmem>>
      %dma_wait3A_237 = tpu.memref_squeeze %dma_wait3A_236 : memref<1x8x1024xf32, #tpu.memory_space<vmem>> -> memref<8x1024xf32, #tpu.memory_space<vmem>>
      %dma_wait3A_238 = tpu.memref_slice %arg5[%mul3A_232] : memref<512xi32, #tpu.memory_space<vmem>> -> memref<8xi32, #tpu.memory_space<vmem>>
      %dma_wait3A_239 = arith.constant 0 : i32
      %dma_wait3A_240 = arith.constant 0 : i32
      %dma_wait3A_241 = tpu.memref_slice %arg3[%dma_wait3A_239, %dma_wait3A_240] : memref<50257x1024xf32, #tpu.memory_space<hbm>> -> memref<50257x1024xf32, #tpu.memory_space<hbm>>
      tpu.wait_indirect_dma semaphore(%arg9 : memref<!tpu.dma_semaphore, #tpu.memory_space<semaphore_mem>>) src(%dma_wait3A_241 : memref<50257x1024xf32, #tpu.memory_space<hbm>>) dst(%dma_wait3A_237 : memref<8x1024xf32, #tpu.memory_space<vmem>>)
      %mul3A_242 = arith.constant 8 : i32
      %mul3A_243 = arith.muli %add3A_216, %mul3A_242 : i32
      %add3A_244 = arith.addi %mul3A_2, %mul3A_243 : i32
      %dma_start3A_245 = arith.constant 2 : i32
      %dma_start3A_246 = arith.constant 0 : i32
      %dma_start3A_247 = arith.constant 0 : i32
      %dma_start3A_248 = tpu.memref_slice %arg6[%dma_start3A_245, %dma_start3A_246, %dma_start3A_247] : memref<8x8x1024xf32, #tpu.memory_space<vmem>> -> memref<1x8x1024xf32, #tpu.memory_space<vmem>>
      %dma_start3A_249 = tpu.memref_squeeze %dma_start3A_248 : memref<1x8x1024xf32, #tpu.memory_space<vmem>> -> memref<8x1024xf32, #tpu.memory_space<vmem>>
      %dma_start3A_250 = arith.constant 0 : i32
      %dma_start3A_251 = tpu.memref_slice %arg4[%add3A_244, %dma_start3A_250] : memref<16384x1024xf32, #tpu.memory_space<hbm>> -> memref<8x1024xf32, #tpu.memory_space<hbm>>
      %dma_start3A_252 = arith.constant 0 : i32
      %dma_start3A_253 = tpu.memref_slice %arg4[%add3A_244, %dma_start3A_252] : memref<16384x1024xf32, #tpu.memory_space<hbm>> -> memref<8x1024xf32, #tpu.memory_space<hbm>>
      %dma_start3A_254 = arith.constant 0 : i32
      %dma_start3A_255 = arith.constant 0 : i32
      %dma_start3A_256 = tpu.memref_slice %arg6[%dma_start3A_245, %dma_start3A_254, %dma_start3A_255] : memref<8x8x1024xf32, #tpu.memory_space<vmem>> -> memref<1x8x1024xf32, #tpu.memory_space<vmem>>
      %dma_start3A_257 = tpu.memref_squeeze %dma_start3A_256 : memref<1x8x1024xf32, #tpu.memory_space<vmem>> -> memref<8x1024xf32, #tpu.memory_space<vmem>>
      tpu.enqueue_dma source(%dma_start3A_257 : memref<8x1024xf32, #tpu.memory_space<vmem>>) target(%dma_start3A_253 : memref<8x1024xf32, #tpu.memory_space<hbm>>) target_semaphore(%arg17 : memref<!tpu.dma_semaphore, #tpu.memory_space<semaphore_mem>>)
      %mul3A_258 = arith.constant 8 : i32
      %mul3A_259 = arith.muli %scan3A_125, %mul3A_258 : i32
      %add3A_260 = arith.constant 3 : i32
      %add3A_261 = arith.addi %mul3A_259, %add3A_260 : i32
      %ge3A_262 = arith.constant 1 : i32
      %ge3A_263 = arith.cmpi sge, %add3A_261, %ge3A_262 : i32
      %convert_element_type3A_264 = arith.extui %ge3A_263 : i1 to i32
      %cond3A_265 = arith.constant 0 : i32
      %cond3A_266 = arith.cmpi ne, %convert_element_type3A_264, %cond3A_265 : i32
      scf.if %cond3A_266 {
        %sub3A_483 = arith.constant 1 : i32
        %sub3A_484 = arith.subi %add3A_261, %sub3A_483 : i32
        %mul3A_485 = arith.constant 8 : i32
        %mul3A_486 = arith.muli %sub3A_484, %mul3A_485 : i32
        %add3A_487 = arith.addi %mul3A_2, %mul3A_486 : i32
        %dma_wait3A_488 = arith.constant 2 : i32
        %dma_wait3A_489 = arith.constant 0 : i32
        %dma_wait3A_490 = arith.constant 0 : i32
        %dma_wait3A_491 = tpu.memref_slice %arg6[%dma_wait3A_488, %dma_wait3A_489, %dma_wait3A_490] : memref<8x8x1024xf32, #tpu.memory_space<vmem>> -> memref<1x8x1024xf32, #tpu.memory_space<vmem>>
        %dma_wait3A_492 = tpu.memref_squeeze %dma_wait3A_491 : memref<1x8x1024xf32, #tpu.memory_space<vmem>> -> memref<8x1024xf32, #tpu.memory_space<vmem>>
        %dma_wait3A_493 = arith.constant 0 : i32
        %dma_wait3A_494 = tpu.memref_slice %arg4[%add3A_487, %dma_wait3A_493] : memref<16384x1024xf32, #tpu.memory_space<hbm>> -> memref<8x1024xf32, #tpu.memory_space<hbm>>
        %dma_wait3A_495 = arith.constant 0 : i32
        %dma_wait3A_496 = tpu.memref_slice %arg4[%add3A_487, %dma_wait3A_495] : memref<16384x1024xf32, #tpu.memory_space<hbm>> -> memref<8x1024xf32, #tpu.memory_space<hbm>>
        %dma_wait3A_497 = arith.constant 0 : i32
        %dma_wait3A_498 = arith.constant 0 : i32
        %dma_wait3A_499 = tpu.memref_slice %arg6[%dma_wait3A_488, %dma_wait3A_497, %dma_wait3A_498] : memref<8x8x1024xf32, #tpu.memory_space<vmem>> -> memref<1x8x1024xf32, #tpu.memory_space<vmem>>
        %dma_wait3A_500 = tpu.memref_squeeze %dma_wait3A_499 : memref<1x8x1024xf32, #tpu.memory_space<vmem>> -> memref<8x1024xf32, #tpu.memory_space<vmem>>
        tpu.wait_dma2 semaphore(%arg17 : memref<!tpu.dma_semaphore, #tpu.memory_space<semaphore_mem>>) src(%dma_wait3A_500 : memref<8x1024xf32, #tpu.memory_space<vmem>>) dst(%dma_wait3A_496 : memref<8x1024xf32, #tpu.memory_space<hbm>>)
      } else {
      }
      %add3A_267 = arith.constant 8 : i32
      %add3A_268 = arith.addi %add3A_261, %add3A_267 : i32
      %sub3A_269 = arith.constant 1 : i32
      %sub3A_270 = arith.subi %add3A_268, %sub3A_269 : i32
      %lt3A_271 = arith.constant 64 : i32
      %lt3A_272 = arith.cmpi slt, %sub3A_270, %lt3A_271 : i32
      %convert_element_type3A_273 = arith.extui %lt3A_272 : i1 to i32
      %cond3A_274 = arith.constant 0 : i32
      %cond3A_275 = arith.cmpi ne, %convert_element_type3A_273, %cond3A_274 : i32
      scf.if %cond3A_275 {
        %add3A_483 = arith.constant 8 : i32
        %add3A_484 = arith.addi %add3A_261, %add3A_483 : i32
        %sub3A_485 = arith.constant 1 : i32
        %sub3A_486 = arith.subi %add3A_484, %sub3A_485 : i32
        %mul3A_487 = arith.constant 8 : i32
        %mul3A_488 = arith.muli %sub3A_486, %mul3A_487 : i32
        %dma_start3A_489 = arith.constant 2 : i32
        %dma_start3A_490 = arith.constant 0 : i32
        %dma_start3A_491 = arith.constant 0 : i32
        %dma_start3A_492 = tpu.memref_slice %arg6[%dma_start3A_489, %dma_start3A_490, %dma_start3A_491] : memref<8x8x1024xf32, #tpu.memory_space<vmem>> -> memref<1x8x1024xf32, #tpu.memory_space<vmem>>
        %dma_start3A_493 = tpu.memref_squeeze %dma_start3A_492 : memref<1x8x1024xf32, #tpu.memory_space<vmem>> -> memref<8x1024xf32, #tpu.memory_space<vmem>>
        %dma_start3A_494 = tpu.memref_slice %arg5[%mul3A_488] : memref<512xi32, #tpu.memory_space<vmem>> -> memref<8xi32, #tpu.memory_space<vmem>>
        %dma_start3A_495 = arith.constant 0 : i32
        %dma_start3A_496 = arith.constant 0 : i32
        %dma_start3A_497 = tpu.memref_slice %arg3[%dma_start3A_495, %dma_start3A_496] : memref<50257x1024xf32, #tpu.memory_space<hbm>> -> memref<50257x1024xf32, #tpu.memory_space<hbm>>
        tpu.enqueue_indirect_dma source(%dma_start3A_497 : memref<50257x1024xf32, #tpu.memory_space<hbm>>) target(%dma_start3A_493 : memref<8x1024xf32, #tpu.memory_space<vmem>>) offsets(%dma_start3A_494 : memref<8xi32, #tpu.memory_space<vmem>>) semaphore(%arg9 : memref<!tpu.dma_semaphore, #tpu.memory_space<semaphore_mem>>)
      } else {
      }
      %mul3A_276 = arith.constant 8 : i32
      %mul3A_277 = arith.muli %add3A_261, %mul3A_276 : i32
      %dma_wait3A_278 = arith.constant 3 : i32
      %dma_wait3A_279 = arith.constant 0 : i32
      %dma_wait3A_280 = arith.constant 0 : i32
      %dma_wait3A_281 = tpu.memref_slice %arg6[%dma_wait3A_278, %dma_wait3A_279, %dma_wait3A_280] : memref<8x8x1024xf32, #tpu.memory_space<vmem>> -> memref<1x8x1024xf32, #tpu.memory_space<vmem>>
      %dma_wait3A_282 = tpu.memref_squeeze %dma_wait3A_281 : memref<1x8x1024xf32, #tpu.memory_space<vmem>> -> memref<8x1024xf32, #tpu.memory_space<vmem>>
      %dma_wait3A_283 = tpu.memref_slice %arg5[%mul3A_277] : memref<512xi32, #tpu.memory_space<vmem>> -> memref<8xi32, #tpu.memory_space<vmem>>
      %dma_wait3A_284 = arith.constant 0 : i32
      %dma_wait3A_285 = arith.constant 0 : i32
      %dma_wait3A_286 = tpu.memref_slice %arg3[%dma_wait3A_284, %dma_wait3A_285] : memref<50257x1024xf32, #tpu.memory_space<hbm>> -> memref<50257x1024xf32, #tpu.memory_space<hbm>>
      tpu.wait_indirect_dma semaphore(%arg10 : memref<!tpu.dma_semaphore, #tpu.memory_space<semaphore_mem>>) src(%dma_wait3A_286 : memref<50257x1024xf32, #tpu.memory_space<hbm>>) dst(%dma_wait3A_282 : memref<8x1024xf32, #tpu.memory_space<vmem>>)
      %mul3A_287 = arith.constant 8 : i32
      %mul3A_288 = arith.muli %add3A_261, %mul3A_287 : i32
      %add3A_289 = arith.addi %mul3A_2, %mul3A_288 : i32
      %dma_start3A_290 = arith.constant 3 : i32
      %dma_start3A_291 = arith.constant 0 : i32
      %dma_start3A_292 = arith.constant 0 : i32
      %dma_start3A_293 = tpu.memref_slice %arg6[%dma_start3A_290, %dma_start3A_291, %dma_start3A_292] : memref<8x8x1024xf32, #tpu.memory_space<vmem>> -> memref<1x8x1024xf32, #tpu.memory_space<vmem>>
      %dma_start3A_294 = tpu.memref_squeeze %dma_start3A_293 : memref<1x8x1024xf32, #tpu.memory_space<vmem>> -> memref<8x1024xf32, #tpu.memory_space<vmem>>
      %dma_start3A_295 = arith.constant 0 : i32
      %dma_start3A_296 = tpu.memref_slice %arg4[%add3A_289, %dma_start3A_295] : memref<16384x1024xf32, #tpu.memory_space<hbm>> -> memref<8x1024xf32, #tpu.memory_space<hbm>>
      %dma_start3A_297 = arith.constant 0 : i32
      %dma_start3A_298 = tpu.memref_slice %arg4[%add3A_289, %dma_start3A_297] : memref<16384x1024xf32, #tpu.memory_space<hbm>> -> memref<8x1024xf32, #tpu.memory_space<hbm>>
      %dma_start3A_299 = arith.constant 0 : i32
      %dma_start3A_300 = arith.constant 0 : i32
      %dma_start3A_301 = tpu.memref_slice %arg6[%dma_start3A_290, %dma_start3A_299, %dma_start3A_300] : memref<8x8x1024xf32, #tpu.memory_space<vmem>> -> memref<1x8x1024xf32, #tpu.memory_space<vmem>>
      %dma_start3A_302 = tpu.memref_squeeze %dma_start3A_301 : memref<1x8x1024xf32, #tpu.memory_space<vmem>> -> memref<8x1024xf32, #tpu.memory_space<vmem>>
      tpu.enqueue_dma source(%dma_start3A_302 : memref<8x1024xf32, #tpu.memory_space<vmem>>) target(%dma_start3A_298 : memref<8x1024xf32, #tpu.memory_space<hbm>>) target_semaphore(%arg18 : memref<!tpu.dma_semaphore, #tpu.memory_space<semaphore_mem>>)
      %mul3A_303 = arith.constant 8 : i32
      %mul3A_304 = arith.muli %scan3A_125, %mul3A_303 : i32
      %add3A_305 = arith.constant 4 : i32
      %add3A_306 = arith.addi %mul3A_304, %add3A_305 : i32
      %ge3A_307 = arith.constant 1 : i32
      %ge3A_308 = arith.cmpi sge, %add3A_306, %ge3A_307 : i32
      %convert_element_type3A_309 = arith.extui %ge3A_308 : i1 to i32
      %cond3A_310 = arith.constant 0 : i32
      %cond3A_311 = arith.cmpi ne, %convert_element_type3A_309, %cond3A_310 : i32
      scf.if %cond3A_311 {
        %sub3A_483 = arith.constant 1 : i32
        %sub3A_484 = arith.subi %add3A_306, %sub3A_483 : i32
        %mul3A_485 = arith.constant 8 : i32
        %mul3A_486 = arith.muli %sub3A_484, %mul3A_485 : i32
        %add3A_487 = arith.addi %mul3A_2, %mul3A_486 : i32
        %dma_wait3A_488 = arith.constant 3 : i32
        %dma_wait3A_489 = arith.constant 0 : i32
        %dma_wait3A_490 = arith.constant 0 : i32
        %dma_wait3A_491 = tpu.memref_slice %arg6[%dma_wait3A_488, %dma_wait3A_489, %dma_wait3A_490] : memref<8x8x1024xf32, #tpu.memory_space<vmem>> -> memref<1x8x1024xf32, #tpu.memory_space<vmem>>
        %dma_wait3A_492 = tpu.memref_squeeze %dma_wait3A_491 : memref<1x8x1024xf32, #tpu.memory_space<vmem>> -> memref<8x1024xf32, #tpu.memory_space<vmem>>
        %dma_wait3A_493 = arith.constant 0 : i32
        %dma_wait3A_494 = tpu.memref_slice %arg4[%add3A_487, %dma_wait3A_493] : memref<16384x1024xf32, #tpu.memory_space<hbm>> -> memref<8x1024xf32, #tpu.memory_space<hbm>>
        %dma_wait3A_495 = arith.constant 0 : i32
        %dma_wait3A_496 = tpu.memref_slice %arg4[%add3A_487, %dma_wait3A_495] : memref<16384x1024xf32, #tpu.memory_space<hbm>> -> memref<8x1024xf32, #tpu.memory_space<hbm>>
        %dma_wait3A_497 = arith.constant 0 : i32
        %dma_wait3A_498 = arith.constant 0 : i32
        %dma_wait3A_499 = tpu.memref_slice %arg6[%dma_wait3A_488, %dma_wait3A_497, %dma_wait3A_498] : memref<8x8x1024xf32, #tpu.memory_space<vmem>> -> memref<1x8x1024xf32, #tpu.memory_space<vmem>>
        %dma_wait3A_500 = tpu.memref_squeeze %dma_wait3A_499 : memref<1x8x1024xf32, #tpu.memory_space<vmem>> -> memref<8x1024xf32, #tpu.memory_space<vmem>>
        tpu.wait_dma2 semaphore(%arg18 : memref<!tpu.dma_semaphore, #tpu.memory_space<semaphore_mem>>) src(%dma_wait3A_500 : memref<8x1024xf32, #tpu.memory_space<vmem>>) dst(%dma_wait3A_496 : memref<8x1024xf32, #tpu.memory_space<hbm>>)
      } else {
      }
      %add3A_312 = arith.constant 8 : i32
      %add3A_313 = arith.addi %add3A_306, %add3A_312 : i32
      %sub3A_314 = arith.constant 1 : i32
      %sub3A_315 = arith.subi %add3A_313, %sub3A_314 : i32
      %lt3A_316 = arith.constant 64 : i32
      %lt3A_317 = arith.cmpi slt, %sub3A_315, %lt3A_316 : i32
      %convert_element_type3A_318 = arith.extui %lt3A_317 : i1 to i32
      %cond3A_319 = arith.constant 0 : i32
      %cond3A_320 = arith.cmpi ne, %convert_element_type3A_318, %cond3A_319 : i32
      scf.if %cond3A_320 {
        %add3A_483 = arith.constant 8 : i32
        %add3A_484 = arith.addi %add3A_306, %add3A_483 : i32
        %sub3A_485 = arith.constant 1 : i32
        %sub3A_486 = arith.subi %add3A_484, %sub3A_485 : i32
        %mul3A_487 = arith.constant 8 : i32
        %mul3A_488 = arith.muli %sub3A_486, %mul3A_487 : i32
        %dma_start3A_489 = arith.constant 3 : i32
        %dma_start3A_490 = arith.constant 0 : i32
        %dma_start3A_491 = arith.constant 0 : i32
        %dma_start3A_492 = tpu.memref_slice %arg6[%dma_start3A_489, %dma_start3A_490, %dma_start3A_491] : memref<8x8x1024xf32, #tpu.memory_space<vmem>> -> memref<1x8x1024xf32, #tpu.memory_space<vmem>>
        %dma_start3A_493 = tpu.memref_squeeze %dma_start3A_492 : memref<1x8x1024xf32, #tpu.memory_space<vmem>> -> memref<8x1024xf32, #tpu.memory_space<vmem>>
        %dma_start3A_494 = tpu.memref_slice %arg5[%mul3A_488] : memref<512xi32, #tpu.memory_space<vmem>> -> memref<8xi32, #tpu.memory_space<vmem>>
        %dma_start3A_495 = arith.constant 0 : i32
        %dma_start3A_496 = arith.constant 0 : i32
        %dma_start3A_497 = tpu.memref_slice %arg3[%dma_start3A_495, %dma_start3A_496] : memref<50257x1024xf32, #tpu.memory_space<hbm>> -> memref<50257x1024xf32, #tpu.memory_space<hbm>>
        tpu.enqueue_indirect_dma source(%dma_start3A_497 : memref<50257x1024xf32, #tpu.memory_space<hbm>>) target(%dma_start3A_493 : memref<8x1024xf32, #tpu.memory_space<vmem>>) offsets(%dma_start3A_494 : memref<8xi32, #tpu.memory_space<vmem>>) semaphore(%arg10 : memref<!tpu.dma_semaphore, #tpu.memory_space<semaphore_mem>>)
      } else {
      }
      %mul3A_321 = arith.constant 8 : i32
      %mul3A_322 = arith.muli %add3A_306, %mul3A_321 : i32
      %dma_wait3A_323 = arith.constant 4 : i32
      %dma_wait3A_324 = arith.constant 0 : i32
      %dma_wait3A_325 = arith.constant 0 : i32
      %dma_wait3A_326 = tpu.memref_slice %arg6[%dma_wait3A_323, %dma_wait3A_324, %dma_wait3A_325] : memref<8x8x1024xf32, #tpu.memory_space<vmem>> -> memref<1x8x1024xf32, #tpu.memory_space<vmem>>
      %dma_wait3A_327 = tpu.memref_squeeze %dma_wait3A_326 : memref<1x8x1024xf32, #tpu.memory_space<vmem>> -> memref<8x1024xf32, #tpu.memory_space<vmem>>
      %dma_wait3A_328 = tpu.memref_slice %arg5[%mul3A_322] : memref<512xi32, #tpu.memory_space<vmem>> -> memref<8xi32, #tpu.memory_space<vmem>>
      %dma_wait3A_329 = arith.constant 0 : i32
      %dma_wait3A_330 = arith.constant 0 : i32
      %dma_wait3A_331 = tpu.memref_slice %arg3[%dma_wait3A_329, %dma_wait3A_330] : memref<50257x1024xf32, #tpu.memory_space<hbm>> -> memref<50257x1024xf32, #tpu.memory_space<hbm>>
      tpu.wait_indirect_dma semaphore(%arg11 : memref<!tpu.dma_semaphore, #tpu.memory_space<semaphore_mem>>) src(%dma_wait3A_331 : memref<50257x1024xf32, #tpu.memory_space<hbm>>) dst(%dma_wait3A_327 : memref<8x1024xf32, #tpu.memory_space<vmem>>)
      %mul3A_332 = arith.constant 8 : i32
      %mul3A_333 = arith.muli %add3A_306, %mul3A_332 : i32
      %add3A_334 = arith.addi %mul3A_2, %mul3A_333 : i32
      %dma_start3A_335 = arith.constant 4 : i32
      %dma_start3A_336 = arith.constant 0 : i32
      %dma_start3A_337 = arith.constant 0 : i32
      %dma_start3A_338 = tpu.memref_slice %arg6[%dma_start3A_335, %dma_start3A_336, %dma_start3A_337] : memref<8x8x1024xf32, #tpu.memory_space<vmem>> -> memref<1x8x1024xf32, #tpu.memory_space<vmem>>
      %dma_start3A_339 = tpu.memref_squeeze %dma_start3A_338 : memref<1x8x1024xf32, #tpu.memory_space<vmem>> -> memref<8x1024xf32, #tpu.memory_space<vmem>>
      %dma_start3A_340 = arith.constant 0 : i32
      %dma_start3A_341 = tpu.memref_slice %arg4[%add3A_334, %dma_start3A_340] : memref<16384x1024xf32, #tpu.memory_space<hbm>> -> memref<8x1024xf32, #tpu.memory_space<hbm>>
      %dma_start3A_342 = arith.constant 0 : i32
      %dma_start3A_343 = tpu.memref_slice %arg4[%add3A_334, %dma_start3A_342] : memref<16384x1024xf32, #tpu.memory_space<hbm>> -> memref<8x1024xf32, #tpu.memory_space<hbm>>
      %dma_start3A_344 = arith.constant 0 : i32
      %dma_start3A_345 = arith.constant 0 : i32
      %dma_start3A_346 = tpu.memref_slice %arg6[%dma_start3A_335, %dma_start3A_344, %dma_start3A_345] : memref<8x8x1024xf32, #tpu.memory_space<vmem>> -> memref<1x8x1024xf32, #tpu.memory_space<vmem>>
      %dma_start3A_347 = tpu.memref_squeeze %dma_start3A_346 : memref<1x8x1024xf32, #tpu.memory_space<vmem>> -> memref<8x1024xf32, #tpu.memory_space<vmem>>
      tpu.enqueue_dma source(%dma_start3A_347 : memref<8x1024xf32, #tpu.memory_space<vmem>>) target(%dma_start3A_343 : memref<8x1024xf32, #tpu.memory_space<hbm>>) target_semaphore(%arg19 : memref<!tpu.dma_semaphore, #tpu.memory_space<semaphore_mem>>)
      %mul3A_348 = arith.constant 8 : i32
      %mul3A_349 = arith.muli %scan3A_125, %mul3A_348 : i32
      %add3A_350 = arith.constant 5 : i32
      %add3A_351 = arith.addi %mul3A_349, %add3A_350 : i32
      %ge3A_352 = arith.constant 1 : i32
      %ge3A_353 = arith.cmpi sge, %add3A_351, %ge3A_352 : i32
      %convert_element_type3A_354 = arith.extui %ge3A_353 : i1 to i32
      %cond3A_355 = arith.constant 0 : i32
      %cond3A_356 = arith.cmpi ne, %convert_element_type3A_354, %cond3A_355 : i32
      scf.if %cond3A_356 {
        %sub3A_483 = arith.constant 1 : i32
        %sub3A_484 = arith.subi %add3A_351, %sub3A_483 : i32
        %mul3A_485 = arith.constant 8 : i32
        %mul3A_486 = arith.muli %sub3A_484, %mul3A_485 : i32
        %add3A_487 = arith.addi %mul3A_2, %mul3A_486 : i32
        %dma_wait3A_488 = arith.constant 4 : i32
        %dma_wait3A_489 = arith.constant 0 : i32
        %dma_wait3A_490 = arith.constant 0 : i32
        %dma_wait3A_491 = tpu.memref_slice %arg6[%dma_wait3A_488, %dma_wait3A_489, %dma_wait3A_490] : memref<8x8x1024xf32, #tpu.memory_space<vmem>> -> memref<1x8x1024xf32, #tpu.memory_space<vmem>>
        %dma_wait3A_492 = tpu.memref_squeeze %dma_wait3A_491 : memref<1x8x1024xf32, #tpu.memory_space<vmem>> -> memref<8x1024xf32, #tpu.memory_space<vmem>>
        %dma_wait3A_493 = arith.constant 0 : i32
        %dma_wait3A_494 = tpu.memref_slice %arg4[%add3A_487, %dma_wait3A_493] : memref<16384x1024xf32, #tpu.memory_space<hbm>> -> memref<8x1024xf32, #tpu.memory_space<hbm>>
        %dma_wait3A_495 = arith.constant 0 : i32
        %dma_wait3A_496 = tpu.memref_slice %arg4[%add3A_487, %dma_wait3A_495] : memref<16384x1024xf32, #tpu.memory_space<hbm>> -> memref<8x1024xf32, #tpu.memory_space<hbm>>
        %dma_wait3A_497 = arith.constant 0 : i32
        %dma_wait3A_498 = arith.constant 0 : i32
        %dma_wait3A_499 = tpu.memref_slice %arg6[%dma_wait3A_488, %dma_wait3A_497, %dma_wait3A_498] : memref<8x8x1024xf32, #tpu.memory_space<vmem>> -> memref<1x8x1024xf32, #tpu.memory_space<vmem>>
        %dma_wait3A_500 = tpu.memref_squeeze %dma_wait3A_499 : memref<1x8x1024xf32, #tpu.memory_space<vmem>> -> memref<8x1024xf32, #tpu.memory_space<vmem>>
        tpu.wait_dma2 semaphore(%arg19 : memref<!tpu.dma_semaphore, #tpu.memory_space<semaphore_mem>>) src(%dma_wait3A_500 : memref<8x1024xf32, #tpu.memory_space<vmem>>) dst(%dma_wait3A_496 : memref<8x1024xf32, #tpu.memory_space<hbm>>)
      } else {
      }
      %add3A_357 = arith.constant 8 : i32
      %add3A_358 = arith.addi %add3A_351, %add3A_357 : i32
      %sub3A_359 = arith.constant 1 : i32
      %sub3A_360 = arith.subi %add3A_358, %sub3A_359 : i32
      %lt3A_361 = arith.constant 64 : i32
      %lt3A_362 = arith.cmpi slt, %sub3A_360, %lt3A_361 : i32
      %convert_element_type3A_363 = arith.extui %lt3A_362 : i1 to i32
      %cond3A_364 = arith.constant 0 : i32
      %cond3A_365 = arith.cmpi ne, %convert_element_type3A_363, %cond3A_364 : i32
      scf.if %cond3A_365 {
        %add3A_483 = arith.constant 8 : i32
        %add3A_484 = arith.addi %add3A_351, %add3A_483 : i32
        %sub3A_485 = arith.constant 1 : i32
        %sub3A_486 = arith.subi %add3A_484, %sub3A_485 : i32
        %mul3A_487 = arith.constant 8 : i32
        %mul3A_488 = arith.muli %sub3A_486, %mul3A_487 : i32
        %dma_start3A_489 = arith.constant 4 : i32
        %dma_start3A_490 = arith.constant 0 : i32
        %dma_start3A_491 = arith.constant 0 : i32
        %dma_start3A_492 = tpu.memref_slice %arg6[%dma_start3A_489, %dma_start3A_490, %dma_start3A_491] : memref<8x8x1024xf32, #tpu.memory_space<vmem>> -> memref<1x8x1024xf32, #tpu.memory_space<vmem>>
        %dma_start3A_493 = tpu.memref_squeeze %dma_start3A_492 : memref<1x8x1024xf32, #tpu.memory_space<vmem>> -> memref<8x1024xf32, #tpu.memory_space<vmem>>
        %dma_start3A_494 = tpu.memref_slice %arg5[%mul3A_488] : memref<512xi32, #tpu.memory_space<vmem>> -> memref<8xi32, #tpu.memory_space<vmem>>
        %dma_start3A_495 = arith.constant 0 : i32
        %dma_start3A_496 = arith.constant 0 : i32
        %dma_start3A_497 = tpu.memref_slice %arg3[%dma_start3A_495, %dma_start3A_496] : memref<50257x1024xf32, #tpu.memory_space<hbm>> -> memref<50257x1024xf32, #tpu.memory_space<hbm>>
        tpu.enqueue_indirect_dma source(%dma_start3A_497 : memref<50257x1024xf32, #tpu.memory_space<hbm>>) target(%dma_start3A_493 : memref<8x1024xf32, #tpu.memory_space<vmem>>) offsets(%dma_start3A_494 : memref<8xi32, #tpu.memory_space<vmem>>) semaphore(%arg11 : memref<!tpu.dma_semaphore, #tpu.memory_space<semaphore_mem>>)
      } else {
      }
      %mul3A_366 = arith.constant 8 : i32
      %mul3A_367 = arith.muli %add3A_351, %mul3A_366 : i32
      %dma_wait3A_368 = arith.constant 5 : i32
      %dma_wait3A_369 = arith.constant 0 : i32
      %dma_wait3A_370 = arith.constant 0 : i32
      %dma_wait3A_371 = tpu.memref_slice %arg6[%dma_wait3A_368, %dma_wait3A_369, %dma_wait3A_370] : memref<8x8x1024xf32, #tpu.memory_space<vmem>> -> memref<1x8x1024xf32, #tpu.memory_space<vmem>>
      %dma_wait3A_372 = tpu.memref_squeeze %dma_wait3A_371 : memref<1x8x1024xf32, #tpu.memory_space<vmem>> -> memref<8x1024xf32, #tpu.memory_space<vmem>>
      %dma_wait3A_373 = tpu.memref_slice %arg5[%mul3A_367] : memref<512xi32, #tpu.memory_space<vmem>> -> memref<8xi32, #tpu.memory_space<vmem>>
      %dma_wait3A_374 = arith.constant 0 : i32
      %dma_wait3A_375 = arith.constant 0 : i32
      %dma_wait3A_376 = tpu.memref_slice %arg3[%dma_wait3A_374, %dma_wait3A_375] : memref<50257x1024xf32, #tpu.memory_space<hbm>> -> memref<50257x1024xf32, #tpu.memory_space<hbm>>
      tpu.wait_indirect_dma semaphore(%arg12 : memref<!tpu.dma_semaphore, #tpu.memory_space<semaphore_mem>>) src(%dma_wait3A_376 : memref<50257x1024xf32, #tpu.memory_space<hbm>>) dst(%dma_wait3A_372 : memref<8x1024xf32, #tpu.memory_space<vmem>>)
      %mul3A_377 = arith.constant 8 : i32
      %mul3A_378 = arith.muli %add3A_351, %mul3A_377 : i32
      %add3A_379 = arith.addi %mul3A_2, %mul3A_378 : i32
      %dma_start3A_380 = arith.constant 5 : i32
      %dma_start3A_381 = arith.constant 0 : i32
      %dma_start3A_382 = arith.constant 0 : i32
      %dma_start3A_383 = tpu.memref_slice %arg6[%dma_start3A_380, %dma_start3A_381, %dma_start3A_382] : memref<8x8x1024xf32, #tpu.memory_space<vmem>> -> memref<1x8x1024xf32, #tpu.memory_space<vmem>>
      %dma_start3A_384 = tpu.memref_squeeze %dma_start3A_383 : memref<1x8x1024xf32, #tpu.memory_space<vmem>> -> memref<8x1024xf32, #tpu.memory_space<vmem>>
      %dma_start3A_385 = arith.constant 0 : i32
      %dma_start3A_386 = tpu.memref_slice %arg4[%add3A_379, %dma_start3A_385] : memref<16384x1024xf32, #tpu.memory_space<hbm>> -> memref<8x1024xf32, #tpu.memory_space<hbm>>
      %dma_start3A_387 = arith.constant 0 : i32
      %dma_start3A_388 = tpu.memref_slice %arg4[%add3A_379, %dma_start3A_387] : memref<16384x1024xf32, #tpu.memory_space<hbm>> -> memref<8x1024xf32, #tpu.memory_space<hbm>>
      %dma_start3A_389 = arith.constant 0 : i32
      %dma_start3A_390 = arith.constant 0 : i32
      %dma_start3A_391 = tpu.memref_slice %arg6[%dma_start3A_380, %dma_start3A_389, %dma_start3A_390] : memref<8x8x1024xf32, #tpu.memory_space<vmem>> -> memref<1x8x1024xf32, #tpu.memory_space<vmem>>
      %dma_start3A_392 = tpu.memref_squeeze %dma_start3A_391 : memref<1x8x1024xf32, #tpu.memory_space<vmem>> -> memref<8x1024xf32, #tpu.memory_space<vmem>>
      tpu.enqueue_dma source(%dma_start3A_392 : memref<8x1024xf32, #tpu.memory_space<vmem>>) target(%dma_start3A_388 : memref<8x1024xf32, #tpu.memory_space<hbm>>) target_semaphore(%arg20 : memref<!tpu.dma_semaphore, #tpu.memory_space<semaphore_mem>>)
      %mul3A_393 = arith.constant 8 : i32
      %mul3A_394 = arith.muli %scan3A_125, %mul3A_393 : i32
      %add3A_395 = arith.constant 6 : i32
      %add3A_396 = arith.addi %mul3A_394, %add3A_395 : i32
      %ge3A_397 = arith.constant 1 : i32
      %ge3A_398 = arith.cmpi sge, %add3A_396, %ge3A_397 : i32
      %convert_element_type3A_399 = arith.extui %ge3A_398 : i1 to i32
      %cond3A_400 = arith.constant 0 : i32
      %cond3A_401 = arith.cmpi ne, %convert_element_type3A_399, %cond3A_400 : i32
      scf.if %cond3A_401 {
        %sub3A_483 = arith.constant 1 : i32
        %sub3A_484 = arith.subi %add3A_396, %sub3A_483 : i32
        %mul3A_485 = arith.constant 8 : i32
        %mul3A_486 = arith.muli %sub3A_484, %mul3A_485 : i32
        %add3A_487 = arith.addi %mul3A_2, %mul3A_486 : i32
        %dma_wait3A_488 = arith.constant 5 : i32
        %dma_wait3A_489 = arith.constant 0 : i32
        %dma_wait3A_490 = arith.constant 0 : i32
        %dma_wait3A_491 = tpu.memref_slice %arg6[%dma_wait3A_488, %dma_wait3A_489, %dma_wait3A_490] : memref<8x8x1024xf32, #tpu.memory_space<vmem>> -> memref<1x8x1024xf32, #tpu.memory_space<vmem>>
        %dma_wait3A_492 = tpu.memref_squeeze %dma_wait3A_491 : memref<1x8x1024xf32, #tpu.memory_space<vmem>> -> memref<8x1024xf32, #tpu.memory_space<vmem>>
        %dma_wait3A_493 = arith.constant 0 : i32
        %dma_wait3A_494 = tpu.memref_slice %arg4[%add3A_487, %dma_wait3A_493] : memref<16384x1024xf32, #tpu.memory_space<hbm>> -> memref<8x1024xf32, #tpu.memory_space<hbm>>
        %dma_wait3A_495 = arith.constant 0 : i32
        %dma_wait3A_496 = tpu.memref_slice %arg4[%add3A_487, %dma_wait3A_495] : memref<16384x1024xf32, #tpu.memory_space<hbm>> -> memref<8x1024xf32, #tpu.memory_space<hbm>>
        %dma_wait3A_497 = arith.constant 0 : i32
        %dma_wait3A_498 = arith.constant 0 : i32
        %dma_wait3A_499 = tpu.memref_slice %arg6[%dma_wait3A_488, %dma_wait3A_497, %dma_wait3A_498] : memref<8x8x1024xf32, #tpu.memory_space<vmem>> -> memref<1x8x1024xf32, #tpu.memory_space<vmem>>
        %dma_wait3A_500 = tpu.memref_squeeze %dma_wait3A_499 : memref<1x8x1024xf32, #tpu.memory_space<vmem>> -> memref<8x1024xf32, #tpu.memory_space<vmem>>
        tpu.wait_dma2 semaphore(%arg20 : memref<!tpu.dma_semaphore, #tpu.memory_space<semaphore_mem>>) src(%dma_wait3A_500 : memref<8x1024xf32, #tpu.memory_space<vmem>>) dst(%dma_wait3A_496 : memref<8x1024xf32, #tpu.memory_space<hbm>>)
      } else {
      }
      %add3A_402 = arith.constant 8 : i32
      %add3A_403 = arith.addi %add3A_396, %add3A_402 : i32
      %sub3A_404 = arith.constant 1 : i32
      %sub3A_405 = arith.subi %add3A_403, %sub3A_404 : i32
      %lt3A_406 = arith.constant 64 : i32
      %lt3A_407 = arith.cmpi slt, %sub3A_405, %lt3A_406 : i32
      %convert_element_type3A_408 = arith.extui %lt3A_407 : i1 to i32
      %cond3A_409 = arith.constant 0 : i32
      %cond3A_410 = arith.cmpi ne, %convert_element_type3A_408, %cond3A_409 : i32
      scf.if %cond3A_410 {
        %add3A_483 = arith.constant 8 : i32
        %add3A_484 = arith.addi %add3A_396, %add3A_483 : i32
        %sub3A_485 = arith.constant 1 : i32
        %sub3A_486 = arith.subi %add3A_484, %sub3A_485 : i32
        %mul3A_487 = arith.constant 8 : i32
        %mul3A_488 = arith.muli %sub3A_486, %mul3A_487 : i32
        %dma_start3A_489 = arith.constant 5 : i32
        %dma_start3A_490 = arith.constant 0 : i32
        %dma_start3A_491 = arith.constant 0 : i32
        %dma_start3A_492 = tpu.memref_slice %arg6[%dma_start3A_489, %dma_start3A_490, %dma_start3A_491] : memref<8x8x1024xf32, #tpu.memory_space<vmem>> -> memref<1x8x1024xf32, #tpu.memory_space<vmem>>
        %dma_start3A_493 = tpu.memref_squeeze %dma_start3A_492 : memref<1x8x1024xf32, #tpu.memory_space<vmem>> -> memref<8x1024xf32, #tpu.memory_space<vmem>>
        %dma_start3A_494 = tpu.memref_slice %arg5[%mul3A_488] : memref<512xi32, #tpu.memory_space<vmem>> -> memref<8xi32, #tpu.memory_space<vmem>>
        %dma_start3A_495 = arith.constant 0 : i32
        %dma_start3A_496 = arith.constant 0 : i32
        %dma_start3A_497 = tpu.memref_slice %arg3[%dma_start3A_495, %dma_start3A_496] : memref<50257x1024xf32, #tpu.memory_space<hbm>> -> memref<50257x1024xf32, #tpu.memory_space<hbm>>
        tpu.enqueue_indirect_dma source(%dma_start3A_497 : memref<50257x1024xf32, #tpu.memory_space<hbm>>) target(%dma_start3A_493 : memref<8x1024xf32, #tpu.memory_space<vmem>>) offsets(%dma_start3A_494 : memref<8xi32, #tpu.memory_space<vmem>>) semaphore(%arg12 : memref<!tpu.dma_semaphore, #tpu.memory_space<semaphore_mem>>)
      } else {
      }
      %mul3A_411 = arith.constant 8 : i32
      %mul3A_412 = arith.muli %add3A_396, %mul3A_411 : i32
      %dma_wait3A_413 = arith.constant 6 : i32
      %dma_wait3A_414 = arith.constant 0 : i32
      %dma_wait3A_415 = arith.constant 0 : i32
      %dma_wait3A_416 = tpu.memref_slice %arg6[%dma_wait3A_413, %dma_wait3A_414, %dma_wait3A_415] : memref<8x8x1024xf32, #tpu.memory_space<vmem>> -> memref<1x8x1024xf32, #tpu.memory_space<vmem>>
      %dma_wait3A_417 = tpu.memref_squeeze %dma_wait3A_416 : memref<1x8x1024xf32, #tpu.memory_space<vmem>> -> memref<8x1024xf32, #tpu.memory_space<vmem>>
      %dma_wait3A_418 = tpu.memref_slice %arg5[%mul3A_412] : memref<512xi32, #tpu.memory_space<vmem>> -> memref<8xi32, #tpu.memory_space<vmem>>
      %dma_wait3A_419 = arith.constant 0 : i32
      %dma_wait3A_420 = arith.constant 0 : i32
      %dma_wait3A_421 = tpu.memref_slice %arg3[%dma_wait3A_419, %dma_wait3A_420] : memref<50257x1024xf32, #tpu.memory_space<hbm>> -> memref<50257x1024xf32, #tpu.memory_space<hbm>>
      tpu.wait_indirect_dma semaphore(%arg13 : memref<!tpu.dma_semaphore, #tpu.memory_space<semaphore_mem>>) src(%dma_wait3A_421 : memref<50257x1024xf32, #tpu.memory_space<hbm>>) dst(%dma_wait3A_417 : memref<8x1024xf32, #tpu.memory_space<vmem>>)
      %mul3A_422 = arith.constant 8 : i32
      %mul3A_423 = arith.muli %add3A_396, %mul3A_422 : i32
      %add3A_424 = arith.addi %mul3A_2, %mul3A_423 : i32
      %dma_start3A_425 = arith.constant 6 : i32
      %dma_start3A_426 = arith.constant 0 : i32
      %dma_start3A_427 = arith.constant 0 : i32
      %dma_start3A_428 = tpu.memref_slice %arg6[%dma_start3A_425, %dma_start3A_426, %dma_start3A_427] : memref<8x8x1024xf32, #tpu.memory_space<vmem>> -> memref<1x8x1024xf32, #tpu.memory_space<vmem>>
      %dma_start3A_429 = tpu.memref_squeeze %dma_start3A_428 : memref<1x8x1024xf32, #tpu.memory_space<vmem>> -> memref<8x1024xf32, #tpu.memory_space<vmem>>
      %dma_start3A_430 = arith.constant 0 : i32
      %dma_start3A_431 = tpu.memref_slice %arg4[%add3A_424, %dma_start3A_430] : memref<16384x1024xf32, #tpu.memory_space<hbm>> -> memref<8x1024xf32, #tpu.memory_space<hbm>>
      %dma_start3A_432 = arith.constant 0 : i32
      %dma_start3A_433 = tpu.memref_slice %arg4[%add3A_424, %dma_start3A_432] : memref<16384x1024xf32, #tpu.memory_space<hbm>> -> memref<8x1024xf32, #tpu.memory_space<hbm>>
      %dma_start3A_434 = arith.constant 0 : i32
      %dma_start3A_435 = arith.constant 0 : i32
      %dma_start3A_436 = tpu.memref_slice %arg6[%dma_start3A_425, %dma_start3A_434, %dma_start3A_435] : memref<8x8x1024xf32, #tpu.memory_space<vmem>> -> memref<1x8x1024xf32, #tpu.memory_space<vmem>>
      %dma_start3A_437 = tpu.memref_squeeze %dma_start3A_436 : memref<1x8x1024xf32, #tpu.memory_space<vmem>> -> memref<8x1024xf32, #tpu.memory_space<vmem>>
      tpu.enqueue_dma source(%dma_start3A_437 : memref<8x1024xf32, #tpu.memory_space<vmem>>) target(%dma_start3A_433 : memref<8x1024xf32, #tpu.memory_space<hbm>>) target_semaphore(%arg21 : memref<!tpu.dma_semaphore, #tpu.memory_space<semaphore_mem>>)
      %mul3A_438 = arith.constant 8 : i32
      %mul3A_439 = arith.muli %scan3A_125, %mul3A_438 : i32
      %add3A_440 = arith.constant 7 : i32
      %add3A_441 = arith.addi %mul3A_439, %add3A_440 : i32
      %ge3A_442 = arith.constant 1 : i32
      %ge3A_443 = arith.cmpi sge, %add3A_441, %ge3A_442 : i32
      %convert_element_type3A_444 = arith.extui %ge3A_443 : i1 to i32
      %cond3A_445 = arith.constant 0 : i32
      %cond3A_446 = arith.cmpi ne, %convert_element_type3A_444, %cond3A_445 : i32
      scf.if %cond3A_446 {
        %sub3A_483 = arith.constant 1 : i32
        %sub3A_484 = arith.subi %add3A_441, %sub3A_483 : i32
        %mul3A_485 = arith.constant 8 : i32
        %mul3A_486 = arith.muli %sub3A_484, %mul3A_485 : i32
        %add3A_487 = arith.addi %mul3A_2, %mul3A_486 : i32
        %dma_wait3A_488 = arith.constant 6 : i32
        %dma_wait3A_489 = arith.constant 0 : i32
        %dma_wait3A_490 = arith.constant 0 : i32
        %dma_wait3A_491 = tpu.memref_slice %arg6[%dma_wait3A_488, %dma_wait3A_489, %dma_wait3A_490] : memref<8x8x1024xf32, #tpu.memory_space<vmem>> -> memref<1x8x1024xf32, #tpu.memory_space<vmem>>
        %dma_wait3A_492 = tpu.memref_squeeze %dma_wait3A_491 : memref<1x8x1024xf32, #tpu.memory_space<vmem>> -> memref<8x1024xf32, #tpu.memory_space<vmem>>
        %dma_wait3A_493 = arith.constant 0 : i32
        %dma_wait3A_494 = tpu.memref_slice %arg4[%add3A_487, %dma_wait3A_493] : memref<16384x1024xf32, #tpu.memory_space<hbm>> -> memref<8x1024xf32, #tpu.memory_space<hbm>>
        %dma_wait3A_495 = arith.constant 0 : i32
        %dma_wait3A_496 = tpu.memref_slice %arg4[%add3A_487, %dma_wait3A_495] : memref<16384x1024xf32, #tpu.memory_space<hbm>> -> memref<8x1024xf32, #tpu.memory_space<hbm>>
        %dma_wait3A_497 = arith.constant 0 : i32
        %dma_wait3A_498 = arith.constant 0 : i32
        %dma_wait3A_499 = tpu.memref_slice %arg6[%dma_wait3A_488, %dma_wait3A_497, %dma_wait3A_498] : memref<8x8x1024xf32, #tpu.memory_space<vmem>> -> memref<1x8x1024xf32, #tpu.memory_space<vmem>>
        %dma_wait3A_500 = tpu.memref_squeeze %dma_wait3A_499 : memref<1x8x1024xf32, #tpu.memory_space<vmem>> -> memref<8x1024xf32, #tpu.memory_space<vmem>>
        tpu.wait_dma2 semaphore(%arg21 : memref<!tpu.dma_semaphore, #tpu.memory_space<semaphore_mem>>) src(%dma_wait3A_500 : memref<8x1024xf32, #tpu.memory_space<vmem>>) dst(%dma_wait3A_496 : memref<8x1024xf32, #tpu.memory_space<hbm>>)
      } else {
      }
      %add3A_447 = arith.constant 8 : i32
      %add3A_448 = arith.addi %add3A_441, %add3A_447 : i32
      %sub3A_449 = arith.constant 1 : i32
      %sub3A_450 = arith.subi %add3A_448, %sub3A_449 : i32
      %lt3A_451 = arith.constant 64 : i32
      %lt3A_452 = arith.cmpi slt, %sub3A_450, %lt3A_451 : i32
      %convert_element_type3A_453 = arith.extui %lt3A_452 : i1 to i32
      %cond3A_454 = arith.constant 0 : i32
      %cond3A_455 = arith.cmpi ne, %convert_element_type3A_453, %cond3A_454 : i32
      scf.if %cond3A_455 {
        %add3A_483 = arith.constant 8 : i32
        %add3A_484 = arith.addi %add3A_441, %add3A_483 : i32
        %sub3A_485 = arith.constant 1 : i32
        %sub3A_486 = arith.subi %add3A_484, %sub3A_485 : i32
        %mul3A_487 = arith.constant 8 : i32
        %mul3A_488 = arith.muli %sub3A_486, %mul3A_487 : i32
        %dma_start3A_489 = arith.constant 6 : i32
        %dma_start3A_490 = arith.constant 0 : i32
        %dma_start3A_491 = arith.constant 0 : i32
        %dma_start3A_492 = tpu.memref_slice %arg6[%dma_start3A_489, %dma_start3A_490, %dma_start3A_491] : memref<8x8x1024xf32, #tpu.memory_space<vmem>> -> memref<1x8x1024xf32, #tpu.memory_space<vmem>>
        %dma_start3A_493 = tpu.memref_squeeze %dma_start3A_492 : memref<1x8x1024xf32, #tpu.memory_space<vmem>> -> memref<8x1024xf32, #tpu.memory_space<vmem>>
        %dma_start3A_494 = tpu.memref_slice %arg5[%mul3A_488] : memref<512xi32, #tpu.memory_space<vmem>> -> memref<8xi32, #tpu.memory_space<vmem>>
        %dma_start3A_495 = arith.constant 0 : i32
        %dma_start3A_496 = arith.constant 0 : i32
        %dma_start3A_497 = tpu.memref_slice %arg3[%dma_start3A_495, %dma_start3A_496] : memref<50257x1024xf32, #tpu.memory_space<hbm>> -> memref<50257x1024xf32, #tpu.memory_space<hbm>>
        tpu.enqueue_indirect_dma source(%dma_start3A_497 : memref<50257x1024xf32, #tpu.memory_space<hbm>>) target(%dma_start3A_493 : memref<8x1024xf32, #tpu.memory_space<vmem>>) offsets(%dma_start3A_494 : memref<8xi32, #tpu.memory_space<vmem>>) semaphore(%arg13 : memref<!tpu.dma_semaphore, #tpu.memory_space<semaphore_mem>>)
      } else {
      }
      %mul3A_456 = arith.constant 8 : i32
      %mul3A_457 = arith.muli %add3A_441, %mul3A_456 : i32
      %dma_wait3A_458 = arith.constant 7 : i32
      %dma_wait3A_459 = arith.constant 0 : i32
      %dma_wait3A_460 = arith.constant 0 : i32
      %dma_wait3A_461 = tpu.memref_slice %arg6[%dma_wait3A_458, %dma_wait3A_459, %dma_wait3A_460] : memref<8x8x1024xf32, #tpu.memory_space<vmem>> -> memref<1x8x1024xf32, #tpu.memory_space<vmem>>
      %dma_wait3A_462 = tpu.memref_squeeze %dma_wait3A_461 : memref<1x8x1024xf32, #tpu.memory_space<vmem>> -> memref<8x1024xf32, #tpu.memory_space<vmem>>
      %dma_wait3A_463 = tpu.memref_slice %arg5[%mul3A_457] : memref<512xi32, #tpu.memory_space<vmem>> -> memref<8xi32, #tpu.memory_space<vmem>>
      %dma_wait3A_464 = arith.constant 0 : i32
      %dma_wait3A_465 = arith.constant 0 : i32
      %dma_wait3A_466 = tpu.memref_slice %arg3[%dma_wait3A_464, %dma_wait3A_465] : memref<50257x1024xf32, #tpu.memory_space<hbm>> -> memref<50257x1024xf32, #tpu.memory_space<hbm>>
      tpu.wait_indirect_dma semaphore(%arg14 : memref<!tpu.dma_semaphore, #tpu.memory_space<semaphore_mem>>) src(%dma_wait3A_466 : memref<50257x1024xf32, #tpu.memory_space<hbm>>) dst(%dma_wait3A_462 : memref<8x1024xf32, #tpu.memory_space<vmem>>)
      %mul3A_467 = arith.constant 8 : i32
      %mul3A_468 = arith.muli %add3A_441, %mul3A_467 : i32
      %add3A_469 = arith.addi %mul3A_2, %mul3A_468 : i32
      %dma_start3A_470 = arith.constant 7 : i32
      %dma_start3A_471 = arith.constant 0 : i32
      %dma_start3A_472 = arith.constant 0 : i32
      %dma_start3A_473 = tpu.memref_slice %arg6[%dma_start3A_470, %dma_start3A_471, %dma_start3A_472] : memref<8x8x1024xf32, #tpu.memory_space<vmem>> -> memref<1x8x1024xf32, #tpu.memory_space<vmem>>
      %dma_start3A_474 = tpu.memref_squeeze %dma_start3A_473 : memref<1x8x1024xf32, #tpu.memory_space<vmem>> -> memref<8x1024xf32, #tpu.memory_space<vmem>>
      %dma_start3A_475 = arith.constant 0 : i32
      %dma_start3A_476 = tpu.memref_slice %arg4[%add3A_469, %dma_start3A_475] : memref<16384x1024xf32, #tpu.memory_space<hbm>> -> memref<8x1024xf32, #tpu.memory_space<hbm>>
      %dma_start3A_477 = arith.constant 0 : i32
      %dma_start3A_478 = tpu.memref_slice %arg4[%add3A_469, %dma_start3A_477] : memref<16384x1024xf32, #tpu.memory_space<hbm>> -> memref<8x1024xf32, #tpu.memory_space<hbm>>
      %dma_start3A_479 = arith.constant 0 : i32
      %dma_start3A_480 = arith.constant 0 : i32
      %dma_start3A_481 = tpu.memref_slice %arg6[%dma_start3A_470, %dma_start3A_479, %dma_start3A_480] : memref<8x8x1024xf32, #tpu.memory_space<vmem>> -> memref<1x8x1024xf32, #tpu.memory_space<vmem>>
      %dma_start3A_482 = tpu.memref_squeeze %dma_start3A_481 : memref<1x8x1024xf32, #tpu.memory_space<vmem>> -> memref<8x1024xf32, #tpu.memory_space<vmem>>
      tpu.enqueue_dma source(%dma_start3A_482 : memref<8x1024xf32, #tpu.memory_space<vmem>>) target(%dma_start3A_478 : memref<8x1024xf32, #tpu.memory_space<hbm>>) target_semaphore(%arg22 : memref<!tpu.dma_semaphore, #tpu.memory_space<semaphore_mem>>)
    }
    %scan3A_110 = arith.constant 8 : i32
    %add3A_111 = arith.constant 504 : i32
    %add3A_112 = arith.addi %mul3A_2, %add3A_111 : i32
    %dma_wait3A = arith.constant 7 : i32
    %dma_wait3A_113 = arith.constant 0 : i32
    %dma_wait3A_114 = arith.constant 0 : i32
    %dma_wait3A_115 = tpu.memref_slice %arg6[%dma_wait3A, %dma_wait3A_113, %dma_wait3A_114] : memref<8x8x1024xf32, #tpu.memory_space<vmem>> -> memref<1x8x1024xf32, #tpu.memory_space<vmem>>
    %dma_wait3A_116 = tpu.memref_squeeze %dma_wait3A_115 : memref<1x8x1024xf32, #tpu.memory_space<vmem>> -> memref<8x1024xf32, #tpu.memory_space<vmem>>
    %dma_wait3A_117 = arith.constant 0 : i32
    %dma_wait3A_118 = tpu.memref_slice %arg4[%add3A_112, %dma_wait3A_117] : memref<16384x1024xf32, #tpu.memory_space<hbm>> -> memref<8x1024xf32, #tpu.memory_space<hbm>>
    %dma_wait3A_119 = arith.constant 0 : i32
    %dma_wait3A_120 = tpu.memref_slice %arg4[%add3A_112, %dma_wait3A_119] : memref<16384x1024xf32, #tpu.memory_space<hbm>> -> memref<8x1024xf32, #tpu.memory_space<hbm>>
    %dma_wait3A_121 = arith.constant 0 : i32
    %dma_wait3A_122 = arith.constant 0 : i32
    %dma_wait3A_123 = tpu.memref_slice %arg6[%dma_wait3A, %dma_wait3A_121, %dma_wait3A_122] : memref<8x8x1024xf32, #tpu.memory_space<vmem>> -> memref<1x8x1024xf32, #tpu.memory_space<vmem>>
    %dma_wait3A_124 = tpu.memref_squeeze %dma_wait3A_123 : memref<1x8x1024xf32, #tpu.memory_space<vmem>> -> memref<8x1024xf32, #tpu.memory_space<vmem>>
    tpu.wait_dma2 semaphore(%arg22 : memref<!tpu.dma_semaphore, #tpu.memory_space<semaphore_mem>>) src(%dma_wait3A_124 : memref<8x1024xf32, #tpu.memory_space<vmem>>) dst(%dma_wait3A_120 : memref<8x1024xf32, #tpu.memory_space<hbm>>)
    return
  }
}

</mosaic_0001>

<sc_bundles>
// kernel: kernel.3.cloned.1.call-start
scs
__scs_entry_jumppad:
0x0: {  	(pc) =	sbr.rel $0x88, $3  }
0x1: {  	(tag) =	ssettag $0x0;
	lr =	simm.s32 $0x1  }
0x2: {  	[smem:$0x3F9F] =	sst lr;
	_ =	strace $0xD0000000  }
0x3: {  	_ = 	snop  }
0x4: {  	_ = 	snop  }
0x5: {  	_ = 	snop  }
0x6: {  	_ = 	snop  }
0x7: {  	_ = 	snop  }
__scs_overlays_trampoline_lowered:
0x8: {  	[smem:$0x3FAE] =	sst s0  }
0x9: {  	[smem:$0x3FAF] =	sst s1  }
0xa: {  	[smem:$0x3FB0] =	sst s2  }
0xb: {  	[smem:$0x3FB1] =	sst s3  }
0xc: {  	[smem:$0x3FB2] =	sst s4  }
0xd: {  	[smem:$0x3FB3] =	sst s5  }
0xe: {  	[smem:$0x3FB4] =	sst s6  }
0xf: {  	[smem:$0x3FB5] =	sst s7  }
0x10: {  	[smem:$0x3FB6] =	sst s8  }
0x11: {  	[smem:$0x3FB7] =	sst s9;
	s0 =	simm.s32 @!p0 $0x0  }
0x12: {  	s1 =	sld [smem:$0x3F9D];
	s0 =	simm.s32 @p0 $0x1  }
0x13: {  	[smem:$0x3FB8] =	sst s0;
	s0 =	simm.s32 @!p1 $0x0  }
0x14: {  	s2 =	sld [smem:$0x3F9C];
	s0 =	simm.s32 @p1 $0x1  }
0x15: {  	[smem:$0x3FB9] =	sst s0;
	s0 =	simm.s32 @!p2 $0x0  }
0x16: {  	s3 =	sld [smem:$0x3FDB];
	s0 =	simm.s32 @p2 $0x1  }
0x17: {  	s4 =	simm.s32 $0x1BF5;
	[smem:$0x3FBB] =	sst s0  }
0x18: {  	s0 =	sld [smem:$0x3F9E];
	_ =	swait.ge [sflag:s4], $0x0  }
0x19: {  	s7 =	sld [smem:$0x3F9F]  }
0x1a: {  	s8 =	sadd.s32 $0xFFFFE003, lr  }
0x1b: {  	s9 =	sadd.s32 $0xFFFFFEF7, lr;
	s5 =	simm.s32 $0xFFFFFFFF;
	p2 =	slt.u32 s8, $0xFFFFF086  }
0x1c: {  	p1 =	slt.u32 s9, $0xF7A;
	s5 =	simm.s32 @!p2 $0x0  }
0x1d: {  	s5 =	simm.s32 @p1 $0x1;
	p0 =	seq.s32 s7, s2  }
0x1e: {  	s7 =	smul.u32 @!p0 $0xF7A, s2;
	p2 =	seq.s32 @!p0 s5, $0x0  }
0x1f: {  	s9 =	smul.u32 $0xF7A, s1;
	s8 =	simm.s32 @!p0 $0x1BF5;
	p2 =	por !p2, p0  }
0x20: {  	[sflag:s8] =	ssyncset.s32 @!p0 $0xFFFFF086;
	s6 =	sadd.s32 @!p0 s3, s7;
	s7 =	simm.s32 @!p0 $0x108  }
0x21: {  	s3 =	sadd.s32 s3, s9;
	s6 =	sadd.s32 @!p0 $0x88, s6;
	s7 =	simm.s32 @p2 $0x1082  }
0x22: {  	[simem:s7], [sflag:s8] =	dma.local @!p0 [hbm:s6], $0xF7A  }
0x23: {  	s9 =	sor.u32 $0xD0000000, s2;
	s6 =	simm.s32 $0x108;
	_ =	swait.ge @!p0 [sflag:s8], $0x0  }
0x24: {  	s3 =	sadd.s32 $0x88, s3;
	s6 =	simm.s32 @!p1 $0x1082;
	[sflag:s4] =	ssyncset.s32 $0xFFFFF086  }
0x25: {  	[simem:s6], [sflag:s4] =	dma.local [hbm:s3], $0xF7A  }
0x26: {  	[smem:$0x3F9F] =	sst s1;
	(tag) =	ssettag s2;
	_ =	strace s9  }
0x27: {  	s1 =	sld [smem:$0x3FAF]  }
0x28: {  	s2 =	sld [smem:$0x3FB0]  }
0x29: {  	s4 =	sld [smem:$0x3FB2]  }
0x2a: {  	p0 =	seq.s32 s5, $0x0;
	s5 =	sld [smem:$0x3FB3]  }
0x2b: {  	s6 =	sld [smem:$0x3FB4]  }
0x2c: {  	s7 =	sld [smem:$0x3FB5]  }
0x2d: {  	s3 =	simm.s32 $0x108;
	s8 =	sld [smem:$0x3FB6]  }
0x2e: {  	s3 =	simm.s32 @!p0 $0x1082;
	s9 =	sld [smem:$0x3FB7]  }
0x2f: {  	lr =	sadd.s32 s0, s3;
	s0 =	sld [smem:$0x3FAE]  }
0x30: {  	s3 =	sld [smem:$0x3FB1]  }
0x31: {  	[smem:$0x3FBA] =	sst s10  }
0x32: {  	s10 =	sld [smem:$0x3FB8];
	_ =	sdelay $0x3  }
0x33: {  	p0 =	seq.s32 s10, $0x1;
	s10 =	sld [smem:$0x3FBA];
	_ =	sdelay $0x3  }
0x34: {  	[smem:$0x3FBA] =	sst s10  }
0x35: {  	s10 =	sld [smem:$0x3FB9];
	_ =	sdelay $0x3  }
0x36: {  	p1 =	seq.s32 s10, $0x1;
	s10 =	sld [smem:$0x3FBA];
	_ =	sdelay $0x3  }
0x37: {  	[smem:$0x3FBA] =	sst s10  }
0x38: {  	s10 =	sld [smem:$0x3FBB]  }
0x39: {  	_ = 	snop;
	(pc) =	sbr.ind lr, $3  }
0x3a: {  	_ = 	snop  }
0x3b: {  	_ = 	snop  }
0x3c: {  	p2 =	seq.s32 s10, $0x1;
	s10 =	sld [smem:$0x3FBA]  }
0x3d: {  	_ =	shalt  }
0x3e: {  	_ =	shalt  }
0x3f: {  	_ =	shalt  }
0x40: {  	_ =	shalt  }
0x41: {  	_ =	shalt  }
0x42: {  	_ =	shalt  }
0x43: {  	_ =	shalt  }
0x44: {  	_ =	shalt  }
0x45: {  	_ =	shalt  }
0x46: {  	_ =	shalt  }
0x47: {  	_ =	shalt  }
0x48: {  	_ =	shalt  }
0x49: {  	_ =	shalt  }
0x4a: {  	_ =	shalt  }
0x4b: {  	_ =	shalt  }
0x4c: {  	_ =	shalt  }
0x4d: {  	_ =	shalt  }
0x4e: {  	_ =	shalt  }
0x4f: {  	_ =	shalt  }
0x50: {  	_ =	shalt  }
0x51: {  	_ =	shalt  }
0x52: {  	_ =	shalt  }
0x53: {  	_ =	shalt  }
0x54: {  	_ =	shalt  }
0x55: {  	_ =	shalt  }
0x56: {  	_ =	shalt  }
0x57: {  	_ =	shalt  }
0x58: {  	_ =	shalt  }
0x59: {  	_ =	shalt  }
0x5a: {  	_ =	shalt  }
0x5b: {  	_ =	shalt  }
0x5c: {  	_ =	shalt  }
0x5d: {  	_ =	shalt  }
0x5e: {  	_ =	shalt  }
0x5f: {  	_ =	shalt  }
0x60: {  	_ =	shalt  }
0x61: {  	_ =	shalt  }
0x62: {  	_ =	shalt  }
0x63: {  	_ =	shalt  }
0x64: {  	_ =	shalt  }
0x65: {  	_ =	shalt  }
0x66: {  	_ =	shalt  }
0x67: {  	_ =	shalt  }
0x68: {  	_ =	shalt  }
0x69: {  	_ =	shalt  }
0x6a: {  	_ =	shalt  }
0x6b: {  	_ =	shalt  }
0x6c: {  	_ =	shalt  }
0x6d: {  	_ =	shalt  }
0x6e: {  	_ =	shalt  }
0x6f: {  	_ =	shalt  }
0x70: {  	_ =	shalt  }
0x71: {  	_ =	shalt  }
0x72: {  	_ =	shalt  }
0x73: {  	_ =	shalt  }
0x74: {  	_ =	shalt  }
0x75: {  	_ =	shalt  }
0x76: {  	_ =	shalt  }
0x77: {  	_ =	shalt  }
0x78: {  	_ =	shalt  }
0x79: {  	_ =	shalt  }
0x7a: {  	_ =	shalt  }
0x7b: {  	_ =	shalt  }
0x7c: {  	_ =	shalt  }
0x7d: {  	_ =	shalt  }
0x7e: {  	_ =	shalt  }
0x7f: {  	_ =	shalt  }
0x80: {  	_ =	shalt  }
0x81: {  	_ =	shalt  }
0x82: {  	_ =	shalt  }
0x83: {  	_ =	shalt  }
0x84: {  	_ =	shalt  }
0x85: {  	_ =	shalt  }
0x86: {  	_ =	shalt  }
0x87: {  	_ =	shalt  }
.Lfunc_end0:
.L_simem_size_0:
called_computation_lowered:
.L_overlay_start_0:
0x88: {  	s2 =	sld [smem:$0x3FD9]  }
0x89: {  	s3 =	sld [smem:$0x3FFE];
	_ =	sdelay $0x1  }
0x8a: {  	s1 =	srdreg.scid  }
0x8b: {  	s0 =	sand.u32 $0x1, s1  }
0x8c: {  	s18 =	sshll.u32 s0, $0xA;
	s2 =	sadd.s32 s3, s2  }
0x8d: {  	s2 =	sadd.s32 s2, s18  }
0x8e: {  	[smem:$0x3FC6] =	sst s2  }
0x8f: {  	_ = 	snop  }
0x90: {  	s2 =	sld [smem:$0x3FC9]  }
0x91: {  	s19 =	sld [smem:$0x3FC8]  }
0x92: {  	s4 =	sld [smem:$0x3FD0];
	(tm) =	ssettm $0x1  }
0x93: {  	s5 =	sld [smem:$0x3FFB];
	_ =	sdelay $0x3  }
0x94: {  	_ =	strace s5  }
0x95: {  	s5 =	sld [smem:$0x3FFC];
	_ =	sdelay $0x3  }
0x96: {  	_ =	strace s5  }
0x97: {  	s5 =	sld [smem:$0x3FFD];
	_ =	sdelay $0x3  }
0x98: {  	_ =	strace s5  }
0x99: {  	_ =	strace $0x8FFFFFFF  }
0x9a: {  	s20 =	sld [smem:$0x3FDB];
	_ =	sdelay $0x1  }
0x9b: {  	s6 =	simm.s32 $_scs_section_size  }
0x9c: {  	s7 =	simm.s32 $_size__tile_overlayer_lowered;
	s8 =	simm.s32 $_tile_overlayer_lowered  }
0x9d: {  	s23 =	simm.s32 $0x1BFF;
	s22 =	sshll.u32 s8, $0x1;
	s5 =	sadd.s32 s6, s20  }
0x9e: {  	s9 =	simm.s32 $0x0;
	s21 =	sshll.u32 s7, $0x1;
	s7 =	sadd.s32 s22, s5  }
0x9f: {  	[timem:s9], [sflag:s23] =	dma.local [hbm:s7], s21  }
0xa0: {  	_ =	swait.ge [sflag:s23], s21  }
0xa1: {  	s6 =	ssub.s32 $0x0, s21;
	[sflag:s23] =	ssyncset.done $0x0  }
0xa2: {  	[sflag:s23] =	ssyncadd.s32 s6;
	_ =	sdelay $0x1  }
0xa3: {  	s24 =	simm.s32 $0x1B8B  }
0xa4: {  	_ =	swait.ge [sflag:s24], $0x1  }
0xa5: {  	[sflag:s24] =	ssyncset.done $0x0  }
0xa6: {  	s25 =	simm.s32 $0x1B8E;
	[sflag:s24] =	ssyncadd.s32 $0xFFFFFFFF  }
0xa7: {  	s26 =	simm.s32 $execute0_lowered;
	[smem:$0x3FD2] =	sst s25  }
0xa8: {  	s6 =	sshll.u32 s26, $0x1;
	_ =	strace $0x80000046;
	[dreg:$0x1] =	wrdreg $0xFFFFFFFF  }
0xa9: {  	s28 =	simm.s32 $_size_execute0_lowered;
	s5 =	sadd.s32 s5, s6;
	[dreg:$0x0] =	wrdreg $0x0  }
0xaa: {  	s6 =	sshll.u32 s28, $0x1;
	[dreg:$0x2] =	wrdreg s5  }
0xab: {  	[dreg:$0x3] =	wrdreg s6  }
0xac: {  	[dreg:$0x4] =	wrdreg $0xC0  }
0xad: {  	_ =	task [dreg:s9], $0x5FFFF  }
0xae: {  	[dreg:$0x1] =	wrdreg $0xFFFFFFFF  }
0xaf: {  	[dreg:$0x0] =	wrdreg $0x60  }
0xb0: {  	[dreg:$0x2] =	wrdreg s2  }
0xb1: {  	[dreg:$0x3] =	wrdreg s19  }
0xb2: {  	[dreg:$0x4] =	wrdreg s4  }
0xb3: {  	[dreg:$0x5] =	wrdreg $0x9  }
0xb4: {  	_ =	task.clear_ibuf [dreg:s9], $0x6FFFF;
	_ =	strace $0x90000046  }
0xb5: {  	s29 =	simm.s32 $0x9;
	_ =	strace $0x80000048  }
0xb6: {  	_ =	swait.ge [sflag:s29], $0x1  }
0xb7: {  	[sflag:s29] =	ssyncadd.s32 $0xFFFFFFFF  }
0xb8: {  	_ =	strace $0x90000048  }
0xb9: {  	_ =	sfence  }
0xba: {  	s30 =	sld [smem:$0x0];
	_ =	sdelay $0x2  }
0xbb: {  	s31 =	sshll.u32 s1, $0xD;
	s1 =	sshrl.u32 s1, $0x2  }
0xbc: {  	s3 =	sand.u32 $0x4000, s31;
	s1 =	sadd.s32 s1, s30  }
0xbd: {  	s0 =	sor.u32 s3, s0;
	s1 =	sshll.u32 s1, $0x11  }
0xbe: {  	s0 =	sor.u32 s1, s0  }
0xbf: {  	s0 =	sadd.s32 $0x8F2B, s0  }
0xc0: {  	[sflag:s0] =	ssyncadd.remote.s32 $0x1  }
0xc1: {  	_ =	sfence.sel $0xFFFF  }
0xc2: {  	[dreg:$0x0] =	wrdreg $0xFFFFFFFF;
	(pc) =	sbr.abs _section_cstart, $3  }
0xc3: {  	[dreg:$0x1] =	wrdreg $0xFFFFFFFF  }
0xc4: {  	_ =	task.clear_ibuf [dreg:s9], $0x2FFFF;
	_ =	strace $0x9FFFFFFF  }
0xc5: {  	(tm) =	ssettm $0x7FFFFFFF  }
tec
execute0_lowered:
.L_overlay_start_1:
0x0: {  	(tag) =	ssettag $0x1  }
0x1: {  	s0 =	rddreg [dreg:$0x0]  }
0x2: {  	s2 =	rddreg [dreg:$0x1];
	s1 =	srdreg.scid  }
0x3: {  	s4 =	rddreg [dreg:$0x2];
	s9 =	stileid.u32;
	s3 =	simm.s32 $0x0  }
0x4: {  	s11 =	simm.s32 $0x4200;
	s24 =	simm.s32 $0xEA00;
	s25 =	simm.s32 $0xF200  }
0x5: {  	s26 =	simm.s32 $0xFA00;
	s15 =	simm.s32 $0x6200;
	s14 =	simm.s32 $0xA200  }
0x6: {  	s29 =	simm.s32 $0x3;
	s30 =	simm.s32 $0xB;
	s31 =	simm.s32 $0x4  }
0x7: {  	s12 =	simm.s32 $0x5;
	s13 =	simm.s32 $0xD;
	s16 =	simm.s32 $0x6  }
0x8: {  	s17 =	simm.s32 $0xE;
	s18 =	simm.s32 $0x7;
	s28 =	simm.s32 $0x6200  }
0x9: {  	s1 =	sand.u32 $0x1, s1;
	s5 =	sshll.u32 s9, $0x9;
	s19 =	sshll.u32 s9, $0x2  }
0xa: {  	[smem:$0x7FF] =	sst s3;
	s21 =	sshll.u32 s9, $0x11;
	s9 =	simm.s32 $0x0  }
0xb: {  	s6 =	sshll.u32 s1, $0x8;
	_ =	strace $0x80000047;
	[dreg:$0x5] =	wrdreg s24  }
0xc: {  	s7 =	ssub.s32 $0x2, s1;
	s1 =	sshll.u32 s1, $0x10;
	[dreg:$0x6] =	wrdreg s25  }
0xd: {  	[dreg:$0x7] =	wrdreg s26;
	s24 =	simm.s32 $0x9;
	s25 =	simm.s32 $0x2  }
0xe: {  	s26 =	simm.s32 $0xA;
	s5 =	sor.u32 s6, s5;
	s20 =	sshrl.u32 s7, $0x1  }
0xf: {  	s6 =	sadd.s32 $0x200, s2;
	s5 =	sor.u32 s19, s5;
	s8 =	ssub.s32 s7, s20  }
0x10: {  	s7 =	sadd.s32 $0x300, s2;
	s19 =	simm.s32 $0x200;
	s20 =	simm.s32 $0xF  }
0x11: {  	s5 =	sand.u32 $0x730, s5;
	s23 =	smax.u32 s8, $0x1;
	s8 =	simm.s32 $0x8  }
0x12: {  	s10 =	sadd.s32 s0, s5;
	s5 =	sadd.s32 $0x100, s2;
	s0 =	sadd.s32 s21, s4  }
0x13: {  	[dreg:$0xa] =	wrdreg s23;
	s23 =	simm.s32 $0xC200;
	s21 =	simm.s32 $0xE200  }
0x14: {  	v0 =	vlaneseq.u32;
	s0 =	sadd.s32 s1, s0;
	[dreg:$0x8] =	wrdreg s10;
	s22 =	sadd.s32 $0x40, s10  }
0x15: {  	v1 =	vshrl.u32 v0, $0x3;
	s10 =	simm.s32 $0x2200;
	s1 =	simm.s32 $0xC;
	[dreg:$0x9] =	wrdreg s22  }
0x16: {  	vm0 =	vmmov $0xffff;
	v0 =	vand.u32 $0x7, v0;
	v1 =	vmul.u32 $0x8, v1;
	[dreg:$0x4] =	wrdreg s0;
	s0 =	simm.s32 $0x8200;
	s22 =	simm.s32 $0x1  }
.LBB2_1:
0x17: {  	[dreg:$0xb] =	wrdreg s9  }
0x18: {  	s4 =	rddreg [dreg:$0x8];
	s9 =	simm.s32 $0x11  }
0x19: {  	[tilespmem:s3], [sflag:$0x11] =	stream.linear.gather [hbm4b:s4+s3], $0x80, $0x38;
	[tilespmem:$0x10200] =	vst v63  }
0x1a: {  	_ =	swait.ge [sflag:s9], $0x80  }
0x1b: {  	[sflag:s9] =	ssyncset.done $0x0  }
0x1c: {  	[sflag:s9] =	ssyncadd.s32 $0xFFFFFF80  }
0x1d: {  	v2 =	vld.msk [tilespmem:$0x0], $0xff;
	_ =	sdelay $0x4  }
0x1e: {  	v3 =	vshll.u32 v2, $0x3  }
0x1f: {  	v2 =	vand.u32 $0x7, v2;
	v3 =	vand.u32 $0xFFFFFFC0, v3  }
0x20: {  	v2 =	vor.u32 v2, v3  }
0x21: {  	v2 =	vperm.xlane v2, v0;
	_ =	sdelay $0x1  }
0x22: {  	v2 =	vadd.s32 v1, v2;
	_ =	sdelay $0x4  }
0x23: {  	[tilespmem:s19], [sflag:$0x1] =	stream.indirect_vreg.gather [hbm4b:s2+s3], $0x80, v2, vm0, $0xb8;
	[tilespmem:$0x10200] =	vst v63  }
0x24: {  	s4 =	simm.s32 $0xA00  }
0x25: {  	[tilespmem:s4], [sflag:$0x1] =	stream.indirect_vreg.gather [hbm4b:s5+s3], $0x80, v2, vm0, $0xb8;
	[tilespmem:$0x10200] =	vst v63  }
0x26: {  	s4 =	simm.s32 $0x1200  }
0x27: {  	[tilespmem:s4], [sflag:$0x1] =	stream.indirect_vreg.gather [hbm4b:s6+s3], $0x80, v2, vm0, $0xb8;
	[tilespmem:$0x10200] =	vst v63  }
0x28: {  	s4 =	simm.s32 $0x1A00  }
0x29: {  	[tilespmem:s4], [sflag:$0x1] =	stream.indirect_vreg.gather [hbm4b:s7+s3], $0x80, v2, vm0, $0xb8;
	[tilespmem:$0x10200] =	vst v63  }
0x2a: {  	v2 =	vld.msk [tilespmem:$0x8], $0xff;
	_ =	sdelay $0x4  }
0x2b: {  	v3 =	vshll.u32 v2, $0x3  }
0x2c: {  	v2 =	vand.u32 $0x7, v2;
	v3 =	vand.u32 $0xFFFFFFC0, v3  }
0x2d: {  	v2 =	vor.u32 v2, v3  }
0x2e: {  	v2 =	vperm.xlane v2, v0;
	_ =	sdelay $0x1  }
0x2f: {  	v2 =	vadd.s32 v1, v2;
	_ =	sdelay $0x4  }
0x30: {  	[tilespmem:s10], [sflag:$0x2] =	stream.indirect_vreg.gather [hbm4b:s2+s3], $0x80, v2, vm0, $0xb8;
	[tilespmem:$0x10200] =	vst v63  }
0x31: {  	s10 =	simm.s32 $0x2A00  }
0x32: {  	[tilespmem:s10], [sflag:$0x2] =	stream.indirect_vreg.gather [hbm4b:s5+s3], $0x80, v2, vm0, $0xb8;
	[tilespmem:$0x10200] =	vst v63  }
0x33: {  	s10 =	simm.s32 $0x3200  }
0x34: {  	[tilespmem:s10], [sflag:$0x2] =	stream.indirect_vreg.gather [hbm4b:s6+s3], $0x80, v2, vm0, $0xb8;
	[tilespmem:$0x10200] =	vst v63  }
0x35: {  	s10 =	simm.s32 $0x3A00  }
0x36: {  	[tilespmem:s10], [sflag:$0x2] =	stream.indirect_vreg.gather [hbm4b:s7+s3], $0x80, v2, vm0, $0xb8;
	[tilespmem:$0x10200] =	vst v63  }
0x37: {  	v2 =	vld.msk [tilespmem:$0x10], $0xff;
	_ =	sdelay $0x4  }
0x38: {  	v3 =	vshll.u32 v2, $0x3  }
0x39: {  	v2 =	vand.u32 $0x7, v2;
	v3 =	vand.u32 $0xFFFFFFC0, v3  }
0x3a: {  	v2 =	vor.u32 v2, v3  }
0x3b: {  	v2 =	vperm.xlane v2, v0;
	_ =	sdelay $0x1  }
0x3c: {  	v2 =	vadd.s32 v1, v2;
	_ =	sdelay $0x4  }
0x3d: {  	[tilespmem:s11], [sflag:$0x3] =	stream.indirect_vreg.gather [hbm4b:s2+s3], $0x80, v2, vm0, $0xb8;
	[tilespmem:$0x10200] =	vst v63  }
0x3e: {  	s11 =	simm.s32 $0x4A00  }
0x3f: {  	[tilespmem:s11], [sflag:$0x3] =	stream.indirect_vreg.gather [hbm4b:s5+s3], $0x80, v2, vm0, $0xb8;
	[tilespmem:$0x10200] =	vst v63  }
0x40: {  	s10 =	simm.s32 $0x5200  }
0x41: {  	[tilespmem:s10], [sflag:$0x3] =	stream.indirect_vreg.gather [hbm4b:s6+s3], $0x80, v2, vm0, $0xb8;
	[tilespmem:$0x10200] =	vst v63  }
0x42: {  	s11 =	simm.s32 $0x5A00  }
0x43: {  	[tilespmem:s11], [sflag:$0x3] =	stream.indirect_vreg.gather [hbm4b:s7+s3], $0x80, v2, vm0, $0xb8;
	[tilespmem:$0x10200] =	vst v63  }
0x44: {  	v2 =	vld.msk [tilespmem:$0x18], $0xff;
	_ =	sdelay $0x4  }
0x45: {  	v3 =	vshll.u32 v2, $0x3  }
0x46: {  	v2 =	vand.u32 $0x7, v2;
	v3 =	vand.u32 $0xFFFFFFC0, v3  }
0x47: {  	v2 =	vor.u32 v2, v3  }
0x48: {  	v2 =	vperm.xlane v2, v0;
	_ =	sdelay $0x1  }
0x49: {  	v2 =	vadd.s32 v1, v2;
	_ =	sdelay $0x4  }
0x4a: {  	[tilespmem:s15], [sflag:$0x4] =	stream.indirect_vreg.gather [hbm4b:s2+s3], $0x80, v2, vm0, $0xb8;
	[tilespmem:$0x10200] =	vst v63  }
0x4b: {  	s10 =	simm.s32 $0x6A00  }
0x4c: {  	[tilespmem:s10], [sflag:$0x4] =	stream.indirect_vreg.gather [hbm4b:s5+s3], $0x80, v2, vm0, $0xb8;
	[tilespmem:$0x10200] =	vst v63  }
0x4d: {  	s11 =	simm.s32 $0x7200  }
0x4e: {  	[tilespmem:s11], [sflag:$0x4] =	stream.indirect_vreg.gather [hbm4b:s6+s3], $0x80, v2, vm0, $0xb8;
	[tilespmem:$0x10200] =	vst v63  }
0x4f: {  	s15 =	simm.s32 $0x7A00  }
0x50: {  	[tilespmem:s15], [sflag:$0x4] =	stream.indirect_vreg.gather [hbm4b:s7+s3], $0x80, v2, vm0, $0xb8;
	[tilespmem:$0x10200] =	vst v63  }
0x51: {  	v2 =	vld.msk [tilespmem:$0x20], $0xff;
	_ =	sdelay $0x4  }
0x52: {  	v3 =	vshll.u32 v2, $0x3  }
0x53: {  	v2 =	vand.u32 $0x7, v2;
	v3 =	vand.u32 $0xFFFFFFC0, v3  }
0x54: {  	v2 =	vor.u32 v2, v3  }
0x55: {  	v2 =	vperm.xlane v2, v0;
	_ =	sdelay $0x1  }
0x56: {  	v2 =	vadd.s32 v1, v2;
	_ =	sdelay $0x4  }
0x57: {  	[tilespmem:s0], [sflag:$0x5] =	stream.indirect_vreg.gather [hbm4b:s2+s3], $0x80, v2, vm0, $0xb8;
	[tilespmem:$0x10200] =	vst v63  }
0x58: {  	s4 =	simm.s32 $0x8A00  }
0x59: {  	[tilespmem:s4], [sflag:$0x5] =	stream.indirect_vreg.gather [hbm4b:s5+s3], $0x80, v2, vm0, $0xb8;
	[tilespmem:$0x10200] =	vst v63  }
0x5a: {  	s10 =	simm.s32 $0x9200  }
0x5b: {  	[tilespmem:s10], [sflag:$0x5] =	stream.indirect_vreg.gather [hbm4b:s6+s3], $0x80, v2, vm0, $0xb8;
	[tilespmem:$0x10200] =	vst v63  }
0x5c: {  	s11 =	simm.s32 $0x9A00  }
0x5d: {  	[tilespmem:s11], [sflag:$0x5] =	stream.indirect_vreg.gather [hbm4b:s7+s3], $0x80, v2, vm0, $0xb8;
	[tilespmem:$0x10200] =	vst v63  }
0x5e: {  	v2 =	vld.msk [tilespmem:$0x28], $0xff;
	_ =	sdelay $0x4  }
0x5f: {  	v3 =	vshll.u32 v2, $0x3  }
0x60: {  	v2 =	vand.u32 $0x7, v2;
	v3 =	vand.u32 $0xFFFFFFC0, v3  }
0x61: {  	v2 =	vor.u32 v2, v3  }
0x62: {  	v2 =	vperm.xlane v2, v0;
	_ =	sdelay $0x1  }
0x63: {  	v2 =	vadd.s32 v1, v2;
	_ =	sdelay $0x4  }
0x64: {  	[tilespmem:s14], [sflag:$0x6] =	stream.indirect_vreg.gather [hbm4b:s2+s3], $0x80, v2, vm0, $0xb8;
	[tilespmem:$0x10200] =	vst v63  }
0x65: {  	s14 =	simm.s32 $0xAA00  }
0x66: {  	[tilespmem:s14], [sflag:$0x6] =	stream.indirect_vreg.gather [hbm4b:s5+s3], $0x80, v2, vm0, $0xb8;
	[tilespmem:$0x10200] =	vst v63  }
0x67: {  	s15 =	simm.s32 $0xB200  }
0x68: {  	[tilespmem:s15], [sflag:$0x6] =	stream.indirect_vreg.gather [hbm4b:s6+s3], $0x80, v2, vm0, $0xb8;
	[tilespmem:$0x10200] =	vst v63  }
0x69: {  	s4 =	simm.s32 $0xBA00  }
0x6a: {  	[tilespmem:s4], [sflag:$0x6] =	stream.indirect_vreg.gather [hbm4b:s7+s3], $0x80, v2, vm0, $0xb8;
	[tilespmem:$0x10200] =	vst v63  }
0x6b: {  	v2 =	vld.msk [tilespmem:$0x30], $0xff;
	_ =	sdelay $0x4  }
0x6c: {  	v3 =	vshll.u32 v2, $0x3  }
0x6d: {  	v2 =	vand.u32 $0x7, v2;
	v3 =	vand.u32 $0xFFFFFFC0, v3  }
0x6e: {  	v2 =	vor.u32 v2, v3  }
0x6f: {  	v2 =	vperm.xlane v2, v0;
	_ =	sdelay $0x1  }
0x70: {  	v2 =	vadd.s32 v1, v2;
	_ =	sdelay $0x4  }
0x71: {  	[tilespmem:s23], [sflag:$0x7] =	stream.indirect_vreg.gather [hbm4b:s2+s3], $0x80, v2, vm0, $0xb8;
	[tilespmem:$0x10200] =	vst v63  }
0x72: {  	s10 =	simm.s32 $0xCA00  }
0x73: {  	[tilespmem:s10], [sflag:$0x7] =	stream.indirect_vreg.gather [hbm4b:s5+s3], $0x80, v2, vm0, $0xb8;
	[tilespmem:$0x10200] =	vst v63  }
0x74: {  	s11 =	simm.s32 $0xD200  }
0x75: {  	[tilespmem:s11], [sflag:$0x7] =	stream.indirect_vreg.gather [hbm4b:s6+s3], $0x80, v2, vm0, $0xb8;
	[tilespmem:$0x10200] =	vst v63  }
0x76: {  	s14 =	simm.s32 $0xDA00  }
0x77: {  	[tilespmem:s14], [sflag:$0x7] =	stream.indirect_vreg.gather [hbm4b:s7+s3], $0x80, v2, vm0, $0xb8;
	[tilespmem:$0x10200] =	vst v63  }
0x78: {  	s15 =	rddreg [dreg:$0x9];
	s23 =	simm.s32 $0x80  }
0x79: {  	[tilespmem:s23], [sflag:$0x11] =	stream.strided.gather [hbm4b:s15+s23], $0x180, s19, s23, $0x38;
	[tilespmem:$0x10200] =	vst v63  }
0x7a: {  	s10 =	simm.s32 $0x0;
	_ =	swait.ge [sflag:s9], $0x180  }
0x7b: {  	s11 =	simm.s32 $0x2200;
	s14 =	simm.s32 $0xA200;
	[sflag:s9] =	ssyncset.done $0x0  }
0x7c: {  	s23 =	simm.s32 $0xC200;
	[sflag:s9] =	ssyncadd.s32 $0xFFFFFE80;
	s9 =	simm.s32 $0x70  }
.LBB2_2:
0x7d: {  	p0 =	seq.s32 s10, $0x0  }
0x7e: {  	s4 =	simm.s32 @!p0 $0x10  }
0x7f: {  	_ =	swait.ge @!p0 [sflag:s4], $0x2000  }
0x80: {  	[sflag:s4] =	ssyncset.done @!p0 $0x0  }
0x81: {  	[sflag:s4] =	ssyncadd.s32 @!p0 $0xFFFFE000  }
0x82: {  	v2 =	vld.msk [tilespmem:s9+$0xFFFFFFC8], $0xff;
	_ =	sdelay $0x4  }
0x83: {  	v3 =	vshll.u32 v2, $0x3  }
0x84: {  	v2 =	vand.u32 $0x7, v2;
	v3 =	vand.u32 $0xFFFFFFC0, v3  }
0x85: {  	v2 =	vor.u32 v2, v3  }
0x86: {  	v2 =	vperm.xlane v2, v0;
	_ =	sdelay $0x1  }
0x87: {  	v2 =	vadd.s32 v1, v2;
	_ =	sdelay $0x4  }
0x88: {  	[tilespmem:s21], [sflag:$0x8] =	stream.indirect_vreg.gather [hbm4b:s2+s3], $0x80, v2, vm0, $0xb8;
	[tilespmem:$0x10200] =	vst v63  }
0x89: {  	s0 =	rddreg [dreg:$0x5]  }
0x8a: {  	[tilespmem:s0], [sflag:$0x8] =	stream.indirect_vreg.gather [hbm4b:s5+s3], $0x80, v2, vm0, $0xb8;
	[tilespmem:$0x10200] =	vst v63  }
0x8b: {  	s15 =	rddreg [dreg:$0x6]  }
0x8c: {  	[tilespmem:s15], [sflag:$0x8] =	stream.indirect_vreg.gather [hbm4b:s6+s3], $0x80, v2, vm0, $0xb8;
	[tilespmem:$0x10200] =	vst v63  }
0x8d: {  	s0 =	rddreg [dreg:$0x7]  }
0x8e: {  	[tilespmem:s0], [sflag:$0x8] =	stream.indirect_vreg.gather [hbm4b:s7+s3], $0x80, v2, vm0, $0xb8;
	[tilespmem:$0x10200] =	vst v63  }
0x8f: {  	_ =	swait.ge [sflag:s22], $0x2000  }
0x90: {  	s15 =	rddreg [dreg:$0x4];
	[sflag:s22] =	ssyncset.done $0x0  }
0x91: {  	[sflag:s22] =	ssyncadd.s32 $0xFFFFE000;
	s4 =	sadd.s32 s10, s15  }
0x92: {  	[hbm4b:s4+s3] =	stream.linear.scatter [tilespmem:s19], [sflag:$0x9], $0x2000, $0x38;
	[tilespmem:$0x10200] =	vst v63  }
0x93: {  	_ =	swait.ge [sflag:s24], $0x2000  }
0x94: {  	[sflag:s24] =	ssyncset.done $0x0  }
0x95: {  	p0 =	seq.s32 s10, $0xE000;
	[sflag:s24] =	ssyncadd.s32 $0xFFFFE000  }
0x96: {  	v2 =	vld.msk @!p0 [tilespmem:s9+$0xFFFFFFD0], $0xff;
	_ =	sdelay $0x4  }
0x97: {  	v3 =	vshll.u32 @!p0 v2, $0x3  }
0x98: {  	v4 =	vlaneseq.u32 @!p0;
	v2 =	vand.u32 @!p0 $0x7, v2;
	v3 =	vand.u32 @!p0 $0xFFFFFFC0, v3  }
0x99: {  	v3 =	vor.u32 @!p0 v2, v3;
	v2 =	vand.u32 @!p0 $0x7, v4;
	v4 =	vshrl.u32 @!p0 v4, $0x3  }
0x9a: {  	v5 =	vperm.xlane @!p0 v3, v2;
	v3 =	vmul.u32 @!p0 $0x8, v4;
	_ =	sdelay $0x1  }
0x9b: {  	v4 =	vadd.s32 @!p0 v3, v5;
	_ =	sdelay $0x3  }
0x9c: {  	vm1 =	vmmov @!p0 $0xffff;
	s15 =	simm.s32 @!p0 $0x0;
	s19 =	simm.s32 @!p0 $0x200  }
0x9d: {  	[tilespmem:s19], [sflag:$0x1] =	stream.indirect_vreg.gather @!p0 [hbm4b:s2+s15], $0x80, v4, vm1, $0xb8;
	[tilespmem:$0x10200] =	vst v63  }
0x9e: {  	s19 =	simm.s32 @!p0 $0xA00  }
0x9f: {  	[tilespmem:s19], [sflag:$0x1] =	stream.indirect_vreg.gather @!p0 [hbm4b:s5+s15], $0x80, v4, vm1, $0xb8;
	[tilespmem:$0x10200] =	vst v63  }
0xa0: {  	s19 =	simm.s32 @!p0 $0x1200  }
0xa1: {  	[tilespmem:s19], [sflag:$0x1] =	stream.indirect_vreg.gather @!p0 [hbm4b:s6+s15], $0x80, v4, vm1, $0xb8;
	[tilespmem:$0x10200] =	vst v63  }
0xa2: {  	s19 =	simm.s32 @!p0 $0x1A00  }
0xa3: {  	[tilespmem:s19], [sflag:$0x1] =	stream.indirect_vreg.gather @!p0 [hbm4b:s7+s15], $0x80, v4, vm1, $0xb8;
	[tilespmem:$0x10200] =	vst v63  }
0xa4: {  	_ =	swait.ge [sflag:s25], $0x2000  }
0xa5: {  	[sflag:s25] =	ssyncset.done $0x0  }
0xa6: {  	s0 =	sadd.s32 $0x400, s4;
	[sflag:s25] =	ssyncadd.s32 $0xFFFFE000  }
0xa7: {  	[hbm4b:s0+s3] =	stream.linear.scatter [tilespmem:s11], [sflag:$0xA], $0x2000, $0x38;
	[tilespmem:$0x10200] =	vst v63  }
0xa8: {  	_ =	swait.ge [sflag:s26], $0x2000  }
0xa9: {  	[sflag:s26] =	ssyncset.done $0x0  }
0xaa: {  	[sflag:s26] =	ssyncadd.s32 $0xFFFFE000  }
0xab: {  	v4 =	vld.msk @!p0 [tilespmem:s9+$0xFFFFFFD8], $0xff;
	_ =	sdelay $0x4  }
0xac: {  	v5 =	vshll.u32 @!p0 v4, $0x3  }
0xad: {  	v4 =	vand.u32 @!p0 $0x7, v4;
	v5 =	vand.u32 @!p0 $0xFFFFFFC0, v5  }
0xae: {  	v4 =	vor.u32 @!p0 v4, v5  }
0xaf: {  	v4 =	vperm.xlane @!p0 v4, v2;
	_ =	sdelay $0x1  }
0xb0: {  	v4 =	vadd.s32 @!p0 v3, v4;
	_ =	sdelay $0x3  }
0xb1: {  	s19 =	simm.s32 @!p0 $0x2200  }
0xb2: {  	[tilespmem:s19], [sflag:$0x2] =	stream.indirect_vreg.gather @!p0 [hbm4b:s2+s15], $0x80, v4, vm1, $0xb8;
	[tilespmem:$0x10200] =	vst v63  }
0xb3: {  	s19 =	simm.s32 @!p0 $0x2A00  }
0xb4: {  	[tilespmem:s19], [sflag:$0x2] =	stream.indirect_vreg.gather @!p0 [hbm4b:s5+s15], $0x80, v4, vm1, $0xb8;
	[tilespmem:$0x10200] =	vst v63  }
0xb5: {  	s19 =	simm.s32 @!p0 $0x3200  }
0xb6: {  	[tilespmem:s19], [sflag:$0x2] =	stream.indirect_vreg.gather @!p0 [hbm4b:s6+s15], $0x80, v4, vm1, $0xb8;
	[tilespmem:$0x10200] =	vst v63  }
0xb7: {  	s19 =	simm.s32 @!p0 $0x3A00  }
0xb8: {  	[tilespmem:s19], [sflag:$0x2] =	stream.indirect_vreg.gather @!p0 [hbm4b:s7+s15], $0x80, v4, vm1, $0xb8;
	[tilespmem:$0x10200] =	vst v63  }
0xb9: {  	_ =	swait.ge [sflag:s29], $0x2000  }
0xba: {  	[sflag:s29] =	ssyncset.done $0x0  }
0xbb: {  	s0 =	simm.s32 $0x4200;
	s19 =	sadd.s32 $0x800, s4;
	[sflag:s29] =	ssyncadd.s32 $0xFFFFE000  }
0xbc: {  	[hbm4b:s19+s3] =	stream.linear.scatter [tilespmem:s0], [sflag:$0xB], $0x2000, $0x38;
	[tilespmem:$0x10200] =	vst v63  }
0xbd: {  	_ =	swait.ge [sflag:s30], $0x2000  }
0xbe: {  	[sflag:s30] =	ssyncset.done $0x0  }
0xbf: {  	[sflag:s30] =	ssyncadd.s32 $0xFFFFE000  }
0xc0: {  	v4 =	vld.msk @!p0 [tilespmem:s9+$0xFFFFFFE0], $0xff;
	_ =	sdelay $0x4  }
0xc1: {  	v5 =	vshll.u32 @!p0 v4, $0x3  }
0xc2: {  	v4 =	vand.u32 @!p0 $0x7, v4;
	v5 =	vand.u32 @!p0 $0xFFFFFFC0, v5  }
0xc3: {  	v4 =	vor.u32 @!p0 v4, v5  }
0xc4: {  	v4 =	vperm.xlane @!p0 v4, v2;
	_ =	sdelay $0x1  }
0xc5: {  	v4 =	vadd.s32 @!p0 v3, v4;
	_ =	sdelay $0x3  }
0xc6: {  	s19 =	simm.s32 @!p0 $0x4200  }
0xc7: {  	[tilespmem:s19], [sflag:$0x3] =	stream.indirect_vreg.gather @!p0 [hbm4b:s2+s15], $0x80, v4, vm1, $0xb8;
	[tilespmem:$0x10200] =	vst v63  }
0xc8: {  	s19 =	simm.s32 @!p0 $0x4A00  }
0xc9: {  	[tilespmem:s19], [sflag:$0x3] =	stream.indirect_vreg.gather @!p0 [hbm4b:s5+s15], $0x80, v4, vm1, $0xb8;
	[tilespmem:$0x10200] =	vst v63  }
0xca: {  	s19 =	simm.s32 @!p0 $0x5200  }
0xcb: {  	[tilespmem:s19], [sflag:$0x3] =	stream.indirect_vreg.gather @!p0 [hbm4b:s6+s15], $0x80, v4, vm1, $0xb8;
	[tilespmem:$0x10200] =	vst v63  }
0xcc: {  	s19 =	simm.s32 @!p0 $0x5A00  }
0xcd: {  	[tilespmem:s19], [sflag:$0x3] =	stream.indirect_vreg.gather @!p0 [hbm4b:s7+s15], $0x80, v4, vm1, $0xb8;
	[tilespmem:$0x10200] =	vst v63  }
0xce: {  	_ =	swait.ge [sflag:s31], $0x2000  }
0xcf: {  	[sflag:s31] =	ssyncset.done $0x0  }
0xd0: {  	s0 =	sadd.s32 $0xC00, s4;
	[sflag:s31] =	ssyncadd.s32 $0xFFFFE000  }
0xd1: {  	[hbm4b:s0+s3] =	stream.linear.scatter [tilespmem:s28], [sflag:$0xC], $0x2000, $0x38;
	[tilespmem:$0x10200] =	vst v63  }
0xd2: {  	_ =	swait.ge [sflag:s1], $0x2000  }
0xd3: {  	[sflag:s1] =	ssyncset.done $0x0  }
0xd4: {  	[sflag:s1] =	ssyncadd.s32 $0xFFFFE000  }
0xd5: {  	v4 =	vld.msk @!p0 [tilespmem:s9+$0xFFFFFFE8], $0xff;
	_ =	sdelay $0x4  }
0xd6: {  	v5 =	vshll.u32 @!p0 v4, $0x3  }
0xd7: {  	v4 =	vand.u32 @!p0 $0x7, v4;
	v5 =	vand.u32 @!p0 $0xFFFFFFC0, v5  }
0xd8: {  	v4 =	vor.u32 @!p0 v4, v5  }
0xd9: {  	v4 =	vperm.xlane @!p0 v4, v2;
	_ =	sdelay $0x1  }
0xda: {  	v4 =	vadd.s32 @!p0 v3, v4;
	_ =	sdelay $0x3  }
0xdb: {  	s19 =	simm.s32 @!p0 $0x6200  }
0xdc: {  	[tilespmem:s19], [sflag:$0x4] =	stream.indirect_vreg.gather @!p0 [hbm4b:s2+s15], $0x80, v4, vm1, $0xb8;
	[tilespmem:$0x10200] =	vst v63  }
0xdd: {  	s19 =	simm.s32 @!p0 $0x6A00  }
0xde: {  	[tilespmem:s19], [sflag:$0x4] =	stream.indirect_vreg.gather @!p0 [hbm4b:s5+s15], $0x80, v4, vm1, $0xb8;
	[tilespmem:$0x10200] =	vst v63  }
0xdf: {  	s19 =	simm.s32 @!p0 $0x7200  }
0xe0: {  	[tilespmem:s19], [sflag:$0x4] =	stream.indirect_vreg.gather @!p0 [hbm4b:s6+s15], $0x80, v4, vm1, $0xb8;
	[tilespmem:$0x10200] =	vst v63  }
0xe1: {  	s19 =	simm.s32 @!p0 $0x7A00  }
0xe2: {  	[tilespmem:s19], [sflag:$0x4] =	stream.indirect_vreg.gather @!p0 [hbm4b:s7+s15], $0x80, v4, vm1, $0xb8;
	[tilespmem:$0x10200] =	vst v63  }
0xe3: {  	_ =	swait.ge [sflag:s12], $0x2000  }
0xe4: {  	[sflag:s12] =	ssyncset.done $0x0  }
0xe5: {  	s0 =	simm.s32 $0x8200;
	s19 =	sadd.s32 $0x1000, s4;
	[sflag:s12] =	ssyncadd.s32 $0xFFFFE000  }
0xe6: {  	[hbm4b:s19+s3] =	stream.linear.scatter [tilespmem:s0], [sflag:$0xD], $0x2000, $0x38;
	[tilespmem:$0x10200] =	vst v63  }
0xe7: {  	_ =	swait.ge [sflag:s13], $0x2000  }
0xe8: {  	[sflag:s13] =	ssyncset.done $0x0  }
0xe9: {  	[sflag:s13] =	ssyncadd.s32 $0xFFFFE000  }
0xea: {  	v4 =	vld.msk @!p0 [tilespmem:s9+$0xFFFFFFF0], $0xff;
	_ =	sdelay $0x4  }
0xeb: {  	v5 =	vshll.u32 @!p0 v4, $0x3  }
0xec: {  	v4 =	vand.u32 @!p0 $0x7, v4;
	v5 =	vand.u32 @!p0 $0xFFFFFFC0, v5  }
0xed: {  	v4 =	vor.u32 @!p0 v4, v5  }
0xee: {  	v4 =	vperm.xlane @!p0 v4, v2;
	_ =	sdelay $0x1  }
0xef: {  	v4 =	vadd.s32 @!p0 v3, v4;
	_ =	sdelay $0x3  }
0xf0: {  	s19 =	simm.s32 @!p0 $0x8200  }
0xf1: {  	[tilespmem:s19], [sflag:$0x5] =	stream.indirect_vreg.gather @!p0 [hbm4b:s2+s15], $0x80, v4, vm1, $0xb8;
	[tilespmem:$0x10200] =	vst v63  }
0xf2: {  	s19 =	simm.s32 @!p0 $0x8A00  }
0xf3: {  	[tilespmem:s19], [sflag:$0x5] =	stream.indirect_vreg.gather @!p0 [hbm4b:s5+s15], $0x80, v4, vm1, $0xb8;
	[tilespmem:$0x10200] =	vst v63  }
0xf4: {  	s19 =	simm.s32 @!p0 $0x9200  }
0xf5: {  	[tilespmem:s19], [sflag:$0x5] =	stream.indirect_vreg.gather @!p0 [hbm4b:s6+s15], $0x80, v4, vm1, $0xb8;
	[tilespmem:$0x10200] =	vst v63  }
0xf6: {  	s19 =	simm.s32 @!p0 $0x9A00  }
0xf7: {  	[tilespmem:s19], [sflag:$0x5] =	stream.indirect_vreg.gather @!p0 [hbm4b:s7+s15], $0x80, v4, vm1, $0xb8;
	[tilespmem:$0x10200] =	vst v63  }
0xf8: {  	_ =	swait.ge [sflag:s16], $0x2000  }
0xf9: {  	[sflag:s16] =	ssyncset.done $0x0  }
0xfa: {  	s0 =	sadd.s32 $0x1400, s4;
	[sflag:s16] =	ssyncadd.s32 $0xFFFFE000  }
0xfb: {  	[hbm4b:s0+s3] =	stream.linear.scatter [tilespmem:s14], [sflag:$0xE], $0x2000, $0x38;
	[tilespmem:$0x10200] =	vst v63  }
0xfc: {  	_ =	swait.ge [sflag:s17], $0x2000  }
0xfd: {  	[sflag:s17] =	ssyncset.done $0x0  }
0xfe: {  	[sflag:s17] =	ssyncadd.s32 $0xFFFFE000  }
0xff: {  	v4 =	vld.msk @!p0 [tilespmem:s9+$0xFFFFFFF8], $0xff;
	_ =	sdelay $0x4  }
0x100: {  	v5 =	vshll.u32 @!p0 v4, $0x3  }
0x101: {  	v4 =	vand.u32 @!p0 $0x7, v4;
	v5 =	vand.u32 @!p0 $0xFFFFFFC0, v5  }
0x102: {  	v4 =	vor.u32 @!p0 v4, v5  }
0x103: {  	v4 =	vperm.xlane @!p0 v4, v2;
	_ =	sdelay $0x1  }
0x104: {  	v4 =	vadd.s32 @!p0 v3, v4;
	_ =	sdelay $0x3  }
0x105: {  	s19 =	simm.s32 @!p0 $0xA200  }
0x106: {  	[tilespmem:s19], [sflag:$0x6] =	stream.indirect_vreg.gather @!p0 [hbm4b:s2+s15], $0x80, v4, vm1, $0xb8;
	[tilespmem:$0x10200] =	vst v63  }
0x107: {  	s19 =	simm.s32 @!p0 $0xAA00  }
0x108: {  	[tilespmem:s19], [sflag:$0x6] =	stream.indirect_vreg.gather @!p0 [hbm4b:s5+s15], $0x80, v4, vm1, $0xb8;
	[tilespmem:$0x10200] =	vst v63  }
0x109: {  	s19 =	simm.s32 @!p0 $0xB200  }
0x10a: {  	[tilespmem:s19], [sflag:$0x6] =	stream.indirect_vreg.gather @!p0 [hbm4b:s6+s15], $0x80, v4, vm1, $0xb8;
	[tilespmem:$0x10200] =	vst v63  }
0x10b: {  	s19 =	simm.s32 @!p0 $0xBA00  }
0x10c: {  	[tilespmem:s19], [sflag:$0x6] =	stream.indirect_vreg.gather @!p0 [hbm4b:s7+s15], $0x80, v4, vm1, $0xb8;
	[tilespmem:$0x10200] =	vst v63  }
0x10d: {  	_ =	swait.ge [sflag:s18], $0x2000  }
0x10e: {  	[sflag:s18] =	ssyncset.done $0x0  }
0x10f: {  	s0 =	sadd.s32 $0x1800, s4;
	[sflag:s18] =	ssyncadd.s32 $0xFFFFE000  }
0x110: {  	[hbm4b:s0+s3] =	stream.linear.scatter [tilespmem:s23], [sflag:$0xF], $0x2000, $0x38;
	[tilespmem:$0x10200] =	vst v63  }
0x111: {  	_ =	swait.ge [sflag:s20], $0x2000  }
0x112: {  	[sflag:s20] =	ssyncset.done $0x0  }
0x113: {  	[sflag:s20] =	ssyncadd.s32 $0xFFFFE000  }
0x114: {  	v4 =	vld.msk @!p0 [tilespmem:s9+$0x0], $0xff;
	_ =	sdelay $0x4  }
0x115: {  	v5 =	vshll.u32 @!p0 v4, $0x3  }
0x116: {  	v4 =	vand.u32 @!p0 $0x7, v4;
	v5 =	vand.u32 @!p0 $0xFFFFFFC0, v5  }
0x117: {  	v4 =	vor.u32 @!p0 v4, v5  }
0x118: {  	v2 =	vperm.xlane @!p0 v4, v2;
	_ =	sdelay $0x1  }
0x119: {  	v2 =	vadd.s32 @!p0 v3, v2;
	_ =	sdelay $0x3  }
0x11a: {  	s19 =	simm.s32 @!p0 $0xC200  }
0x11b: {  	[tilespmem:s19], [sflag:$0x7] =	stream.indirect_vreg.gather @!p0 [hbm4b:s2+s15], $0x80, v2, vm1, $0xb8;
	[tilespmem:$0x10200] =	vst v63  }
0x11c: {  	s19 =	simm.s32 @!p0 $0xCA00  }
0x11d: {  	[tilespmem:s19], [sflag:$0x7] =	stream.indirect_vreg.gather @!p0 [hbm4b:s5+s15], $0x80, v2, vm1, $0xb8;
	[tilespmem:$0x10200] =	vst v63  }
0x11e: {  	s19 =	simm.s32 @!p0 $0xD200  }
0x11f: {  	[tilespmem:s19], [sflag:$0x7] =	stream.indirect_vreg.gather @!p0 [hbm4b:s6+s15], $0x80, v2, vm1, $0xb8;
	[tilespmem:$0x10200] =	vst v63  }
0x120: {  	s10 =	sadd.s32 $0x2000, s10;
	s19 =	simm.s32 @!p0 $0xDA00  }
0x121: {  	[tilespmem:s19], [sflag:$0x7] =	stream.indirect_vreg.gather @!p0 [hbm4b:s7+s15], $0x80, v2, vm1, $0xb8;
	[tilespmem:$0x10200] =	vst v63  }
0x122: {  	p0 =	sne.s32 s10, $0x10000  }
.Ltmp0:
0x123: {  	_ = 	snop;
	(pc) =	sbr.rel @p0 .LBB2_2-.Ltmp0, $4  }
0x124: {  	_ =	swait.ge [sflag:s8], $0x2000  }
0x125: {  	s4 =	sadd.s32 $0x1C00, s4;
	[sflag:s8] =	ssyncset.done $0x0  }
0x126: {  	s9 =	sadd.s32 $0x40, s9;
	s19 =	simm.s32 $0x200;
	[sflag:s8] =	ssyncadd.s32 $0xFFFFE000  }
0x127: {  	[hbm4b:s4+s3] =	stream.linear.scatter [tilespmem:s21], [sflag:$0x10], $0x2000, $0x38;
	[tilespmem:$0x10200] =	vst v63  }
0x128: {  	s0 =	simm.s32 $0x10  }
0x129: {  	_ =	swait.ge [sflag:s0], $0x2000  }
0x12a: {  	s9 =	rddreg [dreg:$0xb]  }
0x12b: {  	s4 =	rddreg [dreg:$0xa];
	s9 =	sadd.s32 $0x1, s9  }
0x12c: {  	p0 =	sne.s32 s9, s4  }
.Ltmp1:
0x12d: {  	_ = 	snop;
	(pc) =	sbr.rel @p0 .LBB2_1-.Ltmp1, $4  }
0x12e: {  	_ = 	snop  }
0x12f: {  	s10 =	simm.s32 $0x2200;
	s11 =	simm.s32 $0x4200  }
0x130: {  	s15 =	simm.s32 $0x6200;
	s14 =	simm.s32 $0xA200;
	[sflag:s0] =	ssyncset.done $0x0  }
0x131: {  	s23 =	simm.s32 $0xC200;
	[sflag:s0] =	ssyncadd.s32 $0xFFFFE000;
	s0 =	simm.s32 $0x8200  }
0x132: {  	_ =	sfence.sel $0x180000  }
0x133: {  	[bflag:$0x0] =	sbarrier.arrive $0xFFFF  }
0x134: {  	_ =	strace $0x90000047  }
0x135: {  	s0 =	stileid.u32;
	[bflag:$0x2] =	sbarrier.arrive $0xFFFF  }
0x136: {  	p0 =	sne.s32 s0, $0x0;
	s0 =	rddreg [dreg:$0x3]  }
0x137: {  	s0 =	sadd.s32 @!p0 $0x100000, s0  }
0x138: {  	[sflag:s0] =	ssyncadd.tile.s32 @!p0 $0x1;
	_ =	shalt  }
.Lfunc_end2:
_tile_overlayer_lowered:
.L_overlay_start_2:
0x139: {  	(tag) =	ssettag $0x2  }
0x13a: {  	s0 =	rddreg [dreg:$0x0];
	s2 =	stileid.u32  }
0x13b: {  	s1 =	rddreg [dreg:$0x1];
	p0 =	sne.s32 s2, $0x0  }
0x13c: {  	s3 =	rddreg [dreg:$0x2];
	[bflag:$0x3] =	sbarrier.arrive $0xFFFF;
	s2 =	simm.s32 @!p0 $0x1C11  }
0x13d: {  	[timem:s3], [sflag:s2] =	dma.local @!p0 [hbm:s0], s1  }
0x13e: {  	s0 =	simm.s32 @!p0 $0x11  }
0x13f: {  	_ =	swait.ge @!p0 [sflag:s0], s1  }
0x140: {  	s1 =	ssub.s32 @!p0 $0x0, s1;
	[sflag:s0] =	ssyncset.done @!p0 $0x0  }
0x141: {  	[sflag:s0] =	ssyncadd.s32 @!p0 s1  }
0x142: {  	[bflag:$0x3] =	sbarrier.arrive $0xFFFF  }
0x143: {  	_ =	shalt  }

</sc_bundles>
